<compile_context>
chip_gen: v7x
topology: tpu7x:2x2x1
jax: 0.10.2.dev20260603
libtpu: 0.0.44.dev20260713+nightly
codegen_flags: <defaults>
</compile_context>

<pallas_src>
import functools
import math

import jax
import jax.numpy as jnp
from jax import lax
from jax.experimental import pallas as pl
from jax.experimental.pallas import tpu as pltpu
from jax.experimental.pallas import tpu_sc as plsc

N = 10000
E = 160000
D_IN = 256
D_H = 128
NL = 3
NT = 2

NSC = 2
NSUB = 16
HALF = N // NSC
HALF_PAD = 5120
CPR = HALF_PAD // NSUB
ROWS_PAD = NT * HALF_PAD
ZROWS = ROWS_PAD // NSUB
EC = E // NSUB
CH = 128
NCHUNK = 80
NCHP = NCHUNK + 4
ECP = NCHUNK * CH

BLK = 1000
NXP = 11000
NBP = NXP // BLK
ZR = N
OT = 1024
BN_SCALE = 1.0 / math.sqrt(1.0 + 1e-5)

_mesh = plsc.VectorSubcoreMesh(core_axis_name="c", subcore_axis_name="s")



@functools.partial(
    pl.kernel,
    mesh=_mesh,
    out_type=jax.ShapeDtypeStruct((NSC, NT, HALF_PAD, D_H), jnp.float32),
    scratch_types=[
        pltpu.VMEM((NCHP, CH), jnp.int32),
        pltpu.VMEM((NCHP, CH), jnp.int32),
        pltpu.VMEM((CH, D_H), jnp.float32),
        pltpu.VMEM_SHARED((ROWS_PAD, D_H), jnp.float32),
        pltpu.SemaphoreType.DMA,
    ],
)
def _sc_aggregate(h_hbm, src_hbm, lidx_hbm, zeros_hbm, out_hbm,
                  src_v, lidx_v, rows_v, ash, sem):
    c = lax.axis_index("c")
    s = lax.axis_index("s")
    pltpu.sync_copy(zeros_hbm, ash.at[pl.ds(s * ZROWS, ZROWS)])
    pltpu.sync_copy(src_hbm.at[c, s], src_v)
    pltpu.sync_copy(lidx_hbm.at[c, s], lidx_v)
    plsc.subcore_barrier()

    def body(j, carry):
        pltpu.async_copy(h_hbm.at[src_v.at[j]], rows_v, sem).wait()
        pltpu.sync_copy(rows_v, ash.at[lidx_v.at[j]], add=True)
        return carry

    lax.fori_loop(0, NCHUNK, body, 0)
    plsc.subcore_barrier()
    for t in range(NT):
        pltpu.sync_copy(ash.at[pl.ds(t * HALF_PAD + s * CPR, CPR)],
                        out_hbm.at[c, t, pl.ds(s * CPR, CPR)])



def _dot(a, b):
    return lax.dot_general(a, b, (((1,), (1,)), ((), ())),
                           preferred_element_type=jnp.float32)


def _tc_proj_body(x_ref, wp_ref, bp_ref, out_ref):
    i = pl.program_id(0)

    @pl.when(i < NBP - 1)
    def _():
        out_ref[...] = _dot(x_ref[...], wp_ref[...]) + bp_ref[...]

    @pl.when(i == NBP - 1)
    def _():
        out_ref[...] = jnp.zeros((BLK, D_H), jnp.float32)


def _tc_proj(x, wp, bp):
    return pl.pallas_call(
        _tc_proj_body,
        grid=(NBP,),
        in_specs=[
            pl.BlockSpec((BLK, D_IN), lambda i: (i, 0)),
            pl.BlockSpec((D_H, D_IN), lambda i: (0, 0)),
            pl.BlockSpec((1, D_H), lambda i: (0, 0)),
        ],
        out_specs=pl.BlockSpec((BLK, D_H), lambda i: (i, 0)),
        out_shape=jax.ShapeDtypeStruct((NXP, D_H), jnp.float32),
    )(x, wp, bp)


def _tc_layer_body(h_ref, a0_ref, a1_ref, c0_ref, c1_ref,
                   we0_ref, we1_ref, ws_ref,
                   be0_ref, be1_ref, bs_ref, gm_ref, bt_ref,
                   out_ref, *, bn):
    i = pl.program_id(0)

    @pl.when(i < NBP - 1)
    def _():
        acc = (_dot(a0_ref[0, 0], we0_ref[...]) +
               _dot(a1_ref[0, 0], we1_ref[...]) +
               _dot(h_ref[...], ws_ref[...]))
        c0 = c0_ref[0, 0][:, 0:1]
        c1 = c1_ref[0, 0][:, 0:1]
        acc = acc + c0 * be0_ref[...] + c1 * be1_ref[...] + bs_ref[...]
        deg = c0 + c1
        deg = jnp.where(deg == 0.0, 1.0, deg)
        h = jnp.maximum(acc / deg, 0.0)
        if bn:
            h = h * (gm_ref[...] * BN_SCALE) + bt_ref[...]
            h = jnp.maximum(h, 0.0)
        out_ref[...] = h

    @pl.when(i == NBP - 1)
    def _():
        out_ref[...] = jnp.zeros((BLK, D_H), jnp.float32)


_NBH = HALF // BLK


def _tc_layer(h, agg, cnt, lp, bnp):
    bn = bnp is not None
    gm = bnp['gamma'] if bn else lp['bs']
    bt = bnp['beta'] if bn else lp['bs']
    row = lambda v: v.reshape(1, D_H)
    full = lambda: pl.BlockSpec((D_H, D_H), lambda i: (0, 0))
    vec = lambda: pl.BlockSpec((1, D_H), lambda i: (0, 0))
    piece = lambda t: pl.BlockSpec(
        (1, 1, BLK, D_H),
        lambda i, t=t: (jnp.minimum(i // _NBH, NSC - 1), t,
                        jnp.minimum(i % _NBH, _NBH - 1), 0))
    return pl.pallas_call(
        functools.partial(_tc_layer_body, bn=bn),
        grid=(NBP,),
        in_specs=[pl.BlockSpec((BLK, D_H), lambda i: (i, 0)),
                  piece(0), piece(1), piece(0), piece(1),
                  full(), full(), full(),
                  vec(), vec(), vec(), vec(), vec()],
        out_specs=pl.BlockSpec((BLK, D_H), lambda i: (i, 0)),
        out_shape=jax.ShapeDtypeStruct((NXP, D_H), jnp.float32),
    )(h, agg, agg, cnt, cnt,
      lp['We'][0], lp['We'][1], lp['Ws'],
      row(lp['be'][0]), row(lp['be'][1]), row(lp['bs']), row(gm), row(bt))


def _tc_head_body(h_ref, wr1_ref, br1_ref, wr2_ref, br2_ref, out_ref, acc_ref):
    i = pl.program_id(0)

    @pl.when(i == 0)
    def _():
        acc_ref[...] = jnp.zeros((8, D_H), jnp.float32)

    acc_ref[...] = acc_ref[...] + jnp.sum(h_ref[...], axis=0, keepdims=True)

    @pl.when(i == NBP - 1)
    def _():
        g = acc_ref[0:1, :] * (1.0 / N)
        z = jnp.maximum(_dot(g, wr1_ref[...]) + br1_ref[...], 0.0)
        out_ref[...] = _dot(z, wr2_ref[...]) + br2_ref[...]


def _tc_head(h, wr1, br1, wr2, br2):
    return pl.pallas_call(
        _tc_head_body,
        grid=(NBP,),
        in_specs=[
            pl.BlockSpec((BLK, D_H), lambda i: (i, 0)),
            pl.BlockSpec((D_H, D_H), lambda i: (0, 0)),
            pl.BlockSpec((1, D_H), lambda i: (0, 0)),
            pl.BlockSpec((D_H, D_H), lambda i: (0, 0)),
            pl.BlockSpec((1, D_H), lambda i: (0, 0)),
        ],
        out_specs=pl.BlockSpec((1, D_H), lambda i: (0, 0)),
        out_shape=jax.ShapeDtypeStruct((1, D_H), jnp.float32),
        scratch_shapes=[pltpu.VMEM((8, D_H), jnp.float32)],
    )(h, wr1, br1.reshape(1, D_H), wr2, br2.reshape(1, D_H))



def kernel(x, edge_index, edge_types, params):
    src = edge_index[0].astype(jnp.int32)
    dst = edge_index[1].astype(jnp.int32)
    et = edge_types.astype(jnp.int32)

    owner = dst // HALF
    lrow = et * HALF_PAD + (dst % HALF)
    spread = jnp.arange(E, dtype=jnp.int32)
    zrow = ZR + spread % (NXP - N)
    srcs = jnp.stack([jnp.where(owner == c, src, zrow) for c in range(NSC)])
    lidx = jnp.stack([jnp.where(owner == c, lrow, spread % ROWS_PAD)
                      for c in range(NSC)])
    ow = jnp.stack([jnp.where(owner == c, OT + spread % OT, spread % OT)
                    for c in range(NSC)])

    padn = NCHP * CH - EC
    pads = jnp.arange(padn, dtype=jnp.int32)

    def chunked(a, padv):
        tail = jnp.broadcast_to(padv, (NSC, NSUB, padn))
        return jnp.concatenate([a.reshape(NSC, NSUB, EC), tail],
                               axis=-1).reshape(NSC, NSUB, NCHP, CH)

    srcw = chunked(srcs, ZR + pads % (NXP - N))
    lidxw = chunked(lidx, pads % ROWS_PAD)
    oww = chunked(ow, pads % OT)

    zeros_big = jnp.zeros((ZROWS, D_H), jnp.float32)
    ones2 = jnp.concatenate([jnp.zeros((OT, D_H), jnp.float32),
                             jnp.ones((OT, D_H), jnp.float32)])

    cnt = _sc_aggregate(ones2, oww, lidxw, zeros_big)

    p = params
    xp = jnp.pad(x, ((0, NXP - N), (0, 0)))
    h = _tc_proj(xp, p['Wp'], p['bp'].reshape(1, D_H))
    for i in range(NL):
        agg = _sc_aggregate(h, srcw, lidxw, zeros_big)
        bnp = p['bn'][i] if i < NL - 1 else None
        h = _tc_layer(h, agg, cnt, p['layers'][i], bnp)
    return _tc_head(h, p['Wr1'], p['br1'], p['Wr2'], p['br2'])

# --- scband reference (transcript-rebuilt; emitter-appended) ---
"""Pipeline reference for scband-secure-gnn-73409581023702 (READ-ONLY COPY).

The authoritative reference and input builder live on the scoring server;
editing this copy changes nothing except your own understanding.
"""

import jax, jax.numpy as jnp
import numpy as np

N = 10000
E = 160000
D_IN = 256
D_H = 128
NL = 3
NT = 2

def _init_linear(key, out_d, in_d):
    k1, k2 = jax.random.split(key)
    lim = 1.0 / np.sqrt(in_d)
    W = jax.random.uniform(k1, (out_d, in_d), jnp.float32, -lim, lim)
    b = jax.random.uniform(k2, (out_d,), jnp.float32, -lim, lim)
    return W, b

def setup_inputs(seed: int = 0):
    key = jax.random.key(seed)
    keys = jax.random.split(key, 40)
    x = jax.random.normal(keys[0], (N, D_IN), jnp.float32)
    edge_index = jax.random.randint(keys[1], (2, E), 0, N)
    edge_types = jax.random.randint(keys[2], (E,), 0, NT)
    ki = 3
    Wp, bp = _init_linear(keys[ki], D_H, D_IN); ki += 1
    layers = []
    for i in range(NL):
        We, be = [], []
        for t in range(NT):
            W, b = _init_linear(keys[ki], D_H, D_H); ki += 1
            We.append(W); be.append(b)
        Ws, bs = _init_linear(keys[ki], D_H, D_H); ki += 1
        layers.append({'We': We, 'be': be, 'Ws': Ws, 'bs': bs})
    bn = [{'gamma': jnp.ones((D_H,), jnp.float32), 'beta': jnp.zeros((D_H,), jnp.float32)} for _ in range(NL - 1)]
    Wr1, br1 = _init_linear(keys[ki], D_H, D_H); ki += 1
    Wr2, br2 = _init_linear(keys[ki], D_H, D_H); ki += 1
    params = {'Wp': Wp, 'bp': bp, 'layers': layers, 'bn': bn, 'Wr1': Wr1, 'br1': br1, 'Wr2': Wr2, 'br2': br2}
    return {'x': x, 'edge_index': edge_index, 'edge_types': edge_types, 'params': params}

def _forward(x, params, edge_index, edge_types):
    src = edge_index[0]
    dst = edge_index[1]
    h = x @ params['Wp'].T + params['bp']
    for i in range(NL):
        lp = params['layers'][i]
        xs = h[src]
        out = jnp.zeros((N, D_H), dtype=h.dtype)
        for t in range(NT):
            m = (edge_types == t).astype(h.dtype)[:, None]
            msgs = (xs @ lp['We'][t].T + lp['be'][t]) * m
            out = out.at[dst].add(msgs)
        out = out + h @ lp['Ws'].T + lp['bs']
        deg = jnp.zeros((N,), dtype=h.dtype).at[dst].add(1.0)
        deg = jnp.where(deg == 0.0, 1.0, deg)
        out = out / deg[:, None]
        h = jax.nn.relu(out)
        if i < NL - 1:
            bnp = params['bn'][i]
            h = (h - 0.0) / jnp.sqrt(1.0 + 1e-5) * bnp['gamma'] + bnp['beta']
            h = jax.nn.relu(h)
    g = jnp.mean(h, axis=0, keepdims=True)
    g = g @ params['Wr1'].T + params['br1']
    g = jax.nn.relu(g)
    g = g @ params['Wr2'].T + params['br2']
    return g

def reference(x, edge_index, edge_types, params):
    return _forward(x, params, edge_index, edge_types)

if __name__ == "__main__":
    import jax
    _d = setup_inputs()
    print(jax.jit(kernel)(*tuple(_d.values())))

</pallas_src>

<mosaic_0001>
#map = affine_map<(d0, d1) -> (0, 0)>
#map1 = affine_map<(d0, d1) -> (0, 0, 0, 0)>
module attributes {stable_mosaic.version = 14 : i64} {
  func.func @_sc_aggregate(%arg0: i32, %arg1: i32, %arg2: memref<11000x128xf32, #tpu.memory_space<hbm>>, %arg3: memref<2x16x84x128xi32, #tpu.memory_space<hbm>>, %arg4: memref<2x16x84x128xi32, #tpu.memory_space<hbm>>, %arg5: memref<640x128xf32, #tpu.memory_space<hbm>>, %arg6: memref<2x2x5120x128xf32, #tpu.memory_space<hbm>>, %arg7: memref<84x128xi32, #tpu.memory_space<vmem>>, %arg8: memref<84x128xi32, #tpu.memory_space<vmem>>, %arg9: memref<128x128xf32, #tpu.memory_space<vmem>>, %arg10: memref<10240x128xf32, #tpu.memory_space<vmem_shared>>, %arg11: memref<!tpu.dma_semaphore, #tpu.memory_space<semaphore_mem>>) attributes {dimension_semantics = [#tpu.dimension_semantics<core_parallel>, #tpu.dimension_semantics<subcore_parallel>], iteration_bounds = array<i64: 2, 16>, scalar_prefetch = 0 : i64, scratch_operands = 5 : i64, tpu.core_type = #tpu.core_type<sc_vector_subcore>, window_params = [{transform_indices = #map}, {transform_indices = #map1}, {transform_indices = #map1}, {transform_indices = #map}, {transform_indices = #map1}]} {
    %mul3A = arith.constant 640 : i32
    %mul3A_0 = arith.muli %arg1, %mul3A : i32
    "tpu.region"() ({
      %run_scoped3A_19 = tpu.sem_alloc : memref<!tpu.dma_semaphore, #tpu.memory_space<semaphore_mem>>
      %dma_start3A = arith.constant 0 : i32
      %dma_start3A_20 = tpu.memref_slice %arg10[%mul3A_0, %dma_start3A] : memref<10240x128xf32, #tpu.memory_space<vmem_shared>> -> memref<640x128xf32, #tpu.memory_space<vmem_shared>>
      tpu.enqueue_dma source(%arg5 : memref<640x128xf32, #tpu.memory_space<hbm>>) target(%dma_start3A_20 : memref<640x128xf32, #tpu.memory_space<vmem_shared>>) target_semaphore(%run_scoped3A_19 : memref<!tpu.dma_semaphore, #tpu.memory_space<semaphore_mem>>)
      %dma_wait3A = arith.constant 0 : i32
      %dma_wait3A_21 = tpu.memref_slice %arg10[%mul3A_0, %dma_wait3A] : memref<10240x128xf32, #tpu.memory_space<vmem_shared>> -> memref<640x128xf32, #tpu.memory_space<vmem_shared>>
      tpu.wait_dma2 semaphore(%run_scoped3A_19 : memref<!tpu.dma_semaphore, #tpu.memory_space<semaphore_mem>>) src(%arg5 : memref<640x128xf32, #tpu.memory_space<hbm>>) dst(%dma_wait3A_21 : memref<640x128xf32, #tpu.memory_space<vmem_shared>>)
      tpu.yield
    }) : () -> ()
    "tpu.region"() ({
      %run_scoped3A_19 = tpu.sem_alloc : memref<!tpu.dma_semaphore, #tpu.memory_space<semaphore_mem>>
      %dma_start3A = arith.constant 0 : i32
      %dma_start3A_20 = arith.constant 0 : i32
      %dma_start3A_21 = tpu.memref_slice %arg3[%arg0, %arg1, %dma_start3A, %dma_start3A_20] : memref<2x16x84x128xi32, #tpu.memory_space<hbm>> -> memref<1x1x84x128xi32, #tpu.memory_space<hbm>>
      %dma_start3A_22 = tpu.memref_squeeze %dma_start3A_21 : memref<1x1x84x128xi32, #tpu.memory_space<hbm>> -> memref<84x128xi32, #tpu.memory_space<hbm>>
      %dma_start3A_23 = arith.constant 0 : i32
      %dma_start3A_24 = arith.constant 0 : i32
      %dma_start3A_25 = tpu.memref_slice %arg3[%arg0, %arg1, %dma_start3A_23, %dma_start3A_24] : memref<2x16x84x128xi32, #tpu.memory_space<hbm>> -> memref<1x1x84x128xi32, #tpu.memory_space<hbm>>
      %dma_start3A_26 = tpu.memref_squeeze %dma_start3A_25 : memref<1x1x84x128xi32, #tpu.memory_space<hbm>> -> memref<84x128xi32, #tpu.memory_space<hbm>>
      tpu.enqueue_dma source(%dma_start3A_26 : memref<84x128xi32, #tpu.memory_space<hbm>>) target(%arg7 : memref<84x128xi32, #tpu.memory_space<vmem>>) target_semaphore(%run_scoped3A_19 : memref<!tpu.dma_semaphore, #tpu.memory_space<semaphore_mem>>)
      %dma_wait3A = arith.constant 0 : i32
      %dma_wait3A_27 = arith.constant 0 : i32
      %dma_wait3A_28 = tpu.memref_slice %arg3[%arg0, %arg1, %dma_wait3A, %dma_wait3A_27] : memref<2x16x84x128xi32, #tpu.memory_space<hbm>> -> memref<1x1x84x128xi32, #tpu.memory_space<hbm>>
      %dma_wait3A_29 = tpu.memref_squeeze %dma_wait3A_28 : memref<1x1x84x128xi32, #tpu.memory_space<hbm>> -> memref<84x128xi32, #tpu.memory_space<hbm>>
      %dma_wait3A_30 = arith.constant 0 : i32
      %dma_wait3A_31 = arith.constant 0 : i32
      %dma_wait3A_32 = tpu.memref_slice %arg3[%arg0, %arg1, %dma_wait3A_30, %dma_wait3A_31] : memref<2x16x84x128xi32, #tpu.memory_space<hbm>> -> memref<1x1x84x128xi32, #tpu.memory_space<hbm>>
      %dma_wait3A_33 = tpu.memref_squeeze %dma_wait3A_32 : memref<1x1x84x128xi32, #tpu.memory_space<hbm>> -> memref<84x128xi32, #tpu.memory_space<hbm>>
      tpu.wait_dma2 semaphore(%run_scoped3A_19 : memref<!tpu.dma_semaphore, #tpu.memory_space<semaphore_mem>>) src(%dma_wait3A_33 : memref<84x128xi32, #tpu.memory_space<hbm>>) dst(%arg7 : memref<84x128xi32, #tpu.memory_space<vmem>>)
      tpu.yield
    }) : () -> ()
    "tpu.region"() ({
      %run_scoped3A_19 = tpu.sem_alloc : memref<!tpu.dma_semaphore, #tpu.memory_space<semaphore_mem>>
      %dma_start3A = arith.constant 0 : i32
      %dma_start3A_20 = arith.constant 0 : i32
      %dma_start3A_21 = tpu.memref_slice %arg4[%arg0, %arg1, %dma_start3A, %dma_start3A_20] : memref<2x16x84x128xi32, #tpu.memory_space<hbm>> -> memref<1x1x84x128xi32, #tpu.memory_space<hbm>>
      %dma_start3A_22 = tpu.memref_squeeze %dma_start3A_21 : memref<1x1x84x128xi32, #tpu.memory_space<hbm>> -> memref<84x128xi32, #tpu.memory_space<hbm>>
      %dma_start3A_23 = arith.constant 0 : i32
      %dma_start3A_24 = arith.constant 0 : i32
      %dma_start3A_25 = tpu.memref_slice %arg4[%arg0, %arg1, %dma_start3A_23, %dma_start3A_24] : memref<2x16x84x128xi32, #tpu.memory_space<hbm>> -> memref<1x1x84x128xi32, #tpu.memory_space<hbm>>
      %dma_start3A_26 = tpu.memref_squeeze %dma_start3A_25 : memref<1x1x84x128xi32, #tpu.memory_space<hbm>> -> memref<84x128xi32, #tpu.memory_space<hbm>>
      tpu.enqueue_dma source(%dma_start3A_26 : memref<84x128xi32, #tpu.memory_space<hbm>>) target(%arg8 : memref<84x128xi32, #tpu.memory_space<vmem>>) target_semaphore(%run_scoped3A_19 : memref<!tpu.dma_semaphore, #tpu.memory_space<semaphore_mem>>)
      %dma_wait3A = arith.constant 0 : i32
      %dma_wait3A_27 = arith.constant 0 : i32
      %dma_wait3A_28 = tpu.memref_slice %arg4[%arg0, %arg1, %dma_wait3A, %dma_wait3A_27] : memref<2x16x84x128xi32, #tpu.memory_space<hbm>> -> memref<1x1x84x128xi32, #tpu.memory_space<hbm>>
      %dma_wait3A_29 = tpu.memref_squeeze %dma_wait3A_28 : memref<1x1x84x128xi32, #tpu.memory_space<hbm>> -> memref<84x128xi32, #tpu.memory_space<hbm>>
      %dma_wait3A_30 = arith.constant 0 : i32
      %dma_wait3A_31 = arith.constant 0 : i32
      %dma_wait3A_32 = tpu.memref_slice %arg4[%arg0, %arg1, %dma_wait3A_30, %dma_wait3A_31] : memref<2x16x84x128xi32, #tpu.memory_space<hbm>> -> memref<1x1x84x128xi32, #tpu.memory_space<hbm>>
      %dma_wait3A_33 = tpu.memref_squeeze %dma_wait3A_32 : memref<1x1x84x128xi32, #tpu.memory_space<hbm>> -> memref<84x128xi32, #tpu.memory_space<hbm>>
      tpu.wait_dma2 semaphore(%run_scoped3A_19 : memref<!tpu.dma_semaphore, #tpu.memory_space<semaphore_mem>>) src(%dma_wait3A_33 : memref<84x128xi32, #tpu.memory_space<hbm>>) dst(%arg8 : memref<84x128xi32, #tpu.memory_space<vmem>>)
      tpu.yield
    }) : () -> ()
    %barrier3A = arith.constant 0 : index
    tpu.barrier barrier_id(%barrier3A)
    %scan3A = arith.constant 0 : i32
    %scan3A_1 = arith.constant 0 : i32
    %scan3A_2 = arith.constant 80 : i32
    %scan3A_3 = arith.addi %scan3A_1, %scan3A_2 : i32
    %scan3A_4 = arith.constant 1 : i32
    scf.for %scan3A_19 = %scan3A_1 to %scan3A_3 step %scan3A_4  : i32 {
      %dma_start3A = arith.constant 0 : i32
      %dma_start3A_20 = tpu.memref_slice %arg7[%scan3A_19, %dma_start3A] : memref<84x128xi32, #tpu.memory_space<vmem>> -> memref<1x128xi32, #tpu.memory_space<vmem>>
      %dma_start3A_21 = tpu.memref_squeeze %dma_start3A_20 : memref<1x128xi32, #tpu.memory_space<vmem>> -> memref<128xi32, #tpu.memory_space<vmem>>
      %dma_start3A_22 = arith.constant 0 : i32
      %dma_start3A_23 = arith.constant 0 : i32
      %dma_start3A_24 = tpu.memref_slice %arg2[%dma_start3A_22, %dma_start3A_23] : memref<11000x128xf32, #tpu.memory_space<hbm>> -> memref<11000x128xf32, #tpu.memory_space<hbm>>
      tpu.enqueue_indirect_dma source(%dma_start3A_24 : memref<11000x128xf32, #tpu.memory_space<hbm>>) target(%arg9 : memref<128x128xf32, #tpu.memory_space<vmem>>) offsets(%dma_start3A_21 : memref<128xi32, #tpu.memory_space<vmem>>) semaphore(%arg11 : memref<!tpu.dma_semaphore, #tpu.memory_space<semaphore_mem>>)
      %dma_wait3A = arith.constant 0 : i32
      %dma_wait3A_25 = tpu.memref_slice %arg7[%scan3A_19, %dma_wait3A] : memref<84x128xi32, #tpu.memory_space<vmem>> -> memref<1x128xi32, #tpu.memory_space<vmem>>
      %dma_wait3A_26 = tpu.memref_squeeze %dma_wait3A_25 : memref<1x128xi32, #tpu.memory_space<vmem>> -> memref<128xi32, #tpu.memory_space<vmem>>
      %dma_wait3A_27 = arith.constant 0 : i32
      %dma_wait3A_28 = arith.constant 0 : i32
      %dma_wait3A_29 = tpu.memref_slice %arg2[%dma_wait3A_27, %dma_wait3A_28] : memref<11000x128xf32, #tpu.memory_space<hbm>> -> memref<11000x128xf32, #tpu.memory_space<hbm>>
      tpu.wait_indirect_dma semaphore(%arg11 : memref<!tpu.dma_semaphore, #tpu.memory_space<semaphore_mem>>) src(%dma_wait3A_29 : memref<11000x128xf32, #tpu.memory_space<hbm>>) dst(%arg9 : memref<128x128xf32, #tpu.memory_space<vmem>>)
      "tpu.region"() ({
        %run_scoped3A_30 = tpu.sem_alloc : memref<!tpu.dma_semaphore, #tpu.memory_space<semaphore_mem>>
        %dma_start3A_31 = arith.constant 0 : i32
        %dma_start3A_32 = tpu.memref_slice %arg8[%scan3A_19, %dma_start3A_31] : memref<84x128xi32, #tpu.memory_space<vmem>> -> memref<1x128xi32, #tpu.memory_space<vmem>>
        %dma_start3A_33 = tpu.memref_squeeze %dma_start3A_32 : memref<1x128xi32, #tpu.memory_space<vmem>> -> memref<128xi32, #tpu.memory_space<vmem>>
        %dma_start3A_34 = arith.constant 0 : i32
        %dma_start3A_35 = arith.constant 0 : i32
        %dma_start3A_36 = tpu.memref_slice %arg10[%dma_start3A_34, %dma_start3A_35] : memref<10240x128xf32, #tpu.memory_space<vmem_shared>> -> memref<10240x128xf32, #tpu.memory_space<vmem_shared>>
        tpu.enqueue_indirect_dma source(%arg9 : memref<128x128xf32, #tpu.memory_space<vmem>>) target(%dma_start3A_36 : memref<10240x128xf32, #tpu.memory_space<vmem_shared>>) offsets(%dma_start3A_33 : memref<128xi32, #tpu.memory_space<vmem>>) semaphore(%run_scoped3A_30 : memref<!tpu.dma_semaphore, #tpu.memory_space<semaphore_mem>>) {add = true}
        %dma_wait3A_37 = arith.constant 0 : i32
        %dma_wait3A_38 = tpu.memref_slice %arg8[%scan3A_19, %dma_wait3A_37] : memref<84x128xi32, #tpu.memory_space<vmem>> -> memref<1x128xi32, #tpu.memory_space<vmem>>
        %dma_wait3A_39 = tpu.memref_squeeze %dma_wait3A_38 : memref<1x128xi32, #tpu.memory_space<vmem>> -> memref<128xi32, #tpu.memory_space<vmem>>
        %dma_wait3A_40 = arith.constant 0 : i32
        %dma_wait3A_41 = arith.constant 0 : i32
        %dma_wait3A_42 = tpu.memref_slice %arg10[%dma_wait3A_40, %dma_wait3A_41] : memref<10240x128xf32, #tpu.memory_space<vmem_shared>> -> memref<10240x128xf32, #tpu.memory_space<vmem_shared>>
        tpu.wait_indirect_dma semaphore(%run_scoped3A_30 : memref<!tpu.dma_semaphore, #tpu.memory_space<semaphore_mem>>) src(%arg9 : memref<128x128xf32, #tpu.memory_space<vmem>>) dst(%dma_wait3A_42 : memref<10240x128xf32, #tpu.memory_space<vmem_shared>>)
        tpu.yield
      }) : () -> ()
    }
    %scan3A_5 = arith.constant 80 : i32
    %barrier3A_6 = arith.constant 0 : index
    tpu.barrier barrier_id(%barrier3A_6)
    %mul3A_7 = arith.constant 320 : i32
    %mul3A_8 = arith.muli %arg1, %mul3A_7 : i32
    %add3A = arith.constant 0 : i32
    %add3A_9 = arith.addi %add3A, %mul3A_8 : i32
    %mul3A_10 = arith.constant 320 : i32
    %mul3A_11 = arith.muli %arg1, %mul3A_10 : i32
    %run_scoped3A = arith.constant 0 : i32
    "tpu.region"() ({
      %run_scoped3A_19 = tpu.sem_alloc : memref<!tpu.dma_semaphore, #tpu.memory_space<semaphore_mem>>
      %dma_start3A = arith.constant 0 : i32
      %dma_start3A_20 = tpu.memref_slice %arg6[%arg0, %run_scoped3A, %mul3A_11, %dma_start3A] : memref<2x2x5120x128xf32, #tpu.memory_space<hbm>> -> memref<1x1x320x128xf32, #tpu.memory_space<hbm>>
      %dma_start3A_21 = tpu.memref_squeeze %dma_start3A_20 : memref<1x1x320x128xf32, #tpu.memory_space<hbm>> -> memref<320x128xf32, #tpu.memory_space<hbm>>
      %dma_start3A_22 = arith.constant 0 : i32
      %dma_start3A_23 = tpu.memref_slice %arg10[%add3A_9, %dma_start3A_22] : memref<10240x128xf32, #tpu.memory_space<vmem_shared>> -> memref<320x128xf32, #tpu.memory_space<vmem_shared>>
      tpu.enqueue_dma source(%dma_start3A_23 : memref<320x128xf32, #tpu.memory_space<vmem_shared>>) target(%dma_start3A_21 : memref<320x128xf32, #tpu.memory_space<hbm>>) target_semaphore(%run_scoped3A_19 : memref<!tpu.dma_semaphore, #tpu.memory_space<semaphore_mem>>)
      %dma_wait3A = arith.constant 0 : i32
      %dma_wait3A_24 = tpu.memref_slice %arg6[%arg0, %run_scoped3A, %mul3A_11, %dma_wait3A] : memref<2x2x5120x128xf32, #tpu.memory_space<hbm>> -> memref<1x1x320x128xf32, #tpu.memory_space<hbm>>
      %dma_wait3A_25 = tpu.memref_squeeze %dma_wait3A_24 : memref<1x1x320x128xf32, #tpu.memory_space<hbm>> -> memref<320x128xf32, #tpu.memory_space<hbm>>
      %dma_wait3A_26 = arith.constant 0 : i32
      %dma_wait3A_27 = tpu.memref_slice %arg10[%add3A_9, %dma_wait3A_26] : memref<10240x128xf32, #tpu.memory_space<vmem_shared>> -> memref<320x128xf32, #tpu.memory_space<vmem_shared>>
      tpu.wait_dma2 semaphore(%run_scoped3A_19 : memref<!tpu.dma_semaphore, #tpu.memory_space<semaphore_mem>>) src(%dma_wait3A_27 : memref<320x128xf32, #tpu.memory_space<vmem_shared>>) dst(%dma_wait3A_25 : memref<320x128xf32, #tpu.memory_space<hbm>>)
      tpu.yield
    }) : () -> ()
    %mul3A_12 = arith.constant 320 : i32
    %mul3A_13 = arith.muli %arg1, %mul3A_12 : i32
    %add3A_14 = arith.constant 5120 : i32
    %add3A_15 = arith.addi %add3A_14, %mul3A_13 : i32
    %mul3A_16 = arith.constant 320 : i32
    %mul3A_17 = arith.muli %arg1, %mul3A_16 : i32
    %run_scoped3A_18 = arith.constant 1 : i32
    "tpu.region"() ({
      %run_scoped3A_19 = tpu.sem_alloc : memref<!tpu.dma_semaphore, #tpu.memory_space<semaphore_mem>>
      %dma_start3A = arith.constant 0 : i32
      %dma_start3A_20 = tpu.memref_slice %arg6[%arg0, %run_scoped3A_18, %mul3A_17, %dma_start3A] : memref<2x2x5120x128xf32, #tpu.memory_space<hbm>> -> memref<1x1x320x128xf32, #tpu.memory_space<hbm>>
      %dma_start3A_21 = tpu.memref_squeeze %dma_start3A_20 : memref<1x1x320x128xf32, #tpu.memory_space<hbm>> -> memref<320x128xf32, #tpu.memory_space<hbm>>
      %dma_start3A_22 = arith.constant 0 : i32
      %dma_start3A_23 = tpu.memref_slice %arg10[%add3A_15, %dma_start3A_22] : memref<10240x128xf32, #tpu.memory_space<vmem_shared>> -> memref<320x128xf32, #tpu.memory_space<vmem_shared>>
      tpu.enqueue_dma source(%dma_start3A_23 : memref<320x128xf32, #tpu.memory_space<vmem_shared>>) target(%dma_start3A_21 : memref<320x128xf32, #tpu.memory_space<hbm>>) target_semaphore(%run_scoped3A_19 : memref<!tpu.dma_semaphore, #tpu.memory_space<semaphore_mem>>)
      %dma_wait3A = arith.constant 0 : i32
      %dma_wait3A_24 = tpu.memref_slice %arg6[%arg0, %run_scoped3A_18, %mul3A_17, %dma_wait3A] : memref<2x2x5120x128xf32, #tpu.memory_space<hbm>> -> memref<1x1x320x128xf32, #tpu.memory_space<hbm>>
      %dma_wait3A_25 = tpu.memref_squeeze %dma_wait3A_24 : memref<1x1x320x128xf32, #tpu.memory_space<hbm>> -> memref<320x128xf32, #tpu.memory_space<hbm>>
      %dma_wait3A_26 = arith.constant 0 : i32
      %dma_wait3A_27 = tpu.memref_slice %arg10[%add3A_15, %dma_wait3A_26] : memref<10240x128xf32, #tpu.memory_space<vmem_shared>> -> memref<320x128xf32, #tpu.memory_space<vmem_shared>>
      tpu.wait_dma2 semaphore(%run_scoped3A_19 : memref<!tpu.dma_semaphore, #tpu.memory_space<semaphore_mem>>) src(%dma_wait3A_27 : memref<320x128xf32, #tpu.memory_space<vmem_shared>>) dst(%dma_wait3A_25 : memref<320x128xf32, #tpu.memory_space<hbm>>)
      tpu.yield
    }) : () -> ()
    return
  }
}

#map = affine_map<(d0, d1) -> (0, 0)>
#map1 = affine_map<(d0, d1) -> (0, 0, 0, 0)>
module attributes {stable_mosaic.version = 14 : i64} {
  func.func @_sc_aggregate(%arg0: i32, %arg1: i32, %arg2: memref<2048x128xf32, #tpu.memory_space<hbm>>, %arg3: memref<2x16x84x128xi32, #tpu.memory_space<hbm>>, %arg4: memref<2x16x84x128xi32, #tpu.memory_space<hbm>>, %arg5: memref<640x128xf32, #tpu.memory_space<hbm>>, %arg6: memref<2x2x5120x128xf32, #tpu.memory_space<hbm>>, %arg7: memref<84x128xi32, #tpu.memory_space<vmem>>, %arg8: memref<84x128xi32, #tpu.memory_space<vmem>>, %arg9: memref<128x128xf32, #tpu.memory_space<vmem>>, %arg10: memref<10240x128xf32, #tpu.memory_space<vmem_shared>>, %arg11: memref<!tpu.dma_semaphore, #tpu.memory_space<semaphore_mem>>) attributes {dimension_semantics = [#tpu.dimension_semantics<core_parallel>, #tpu.dimension_semantics<subcore_parallel>], iteration_bounds = array<i64: 2, 16>, scalar_prefetch = 0 : i64, scratch_operands = 5 : i64, tpu.core_type = #tpu.core_type<sc_vector_subcore>, window_params = [{transform_indices = #map}, {transform_indices = #map1}, {transform_indices = #map1}, {transform_indices = #map}, {transform_indices = #map1}]} {
    %mul3A = arith.constant 640 : i32
    %mul3A_0 = arith.muli %arg1, %mul3A : i32
    "tpu.region"() ({
      %run_scoped3A_19 = tpu.sem_alloc : memref<!tpu.dma_semaphore, #tpu.memory_space<semaphore_mem>>
      %dma_start3A = arith.constant 0 : i32
      %dma_start3A_20 = tpu.memref_slice %arg10[%mul3A_0, %dma_start3A] : memref<10240x128xf32, #tpu.memory_space<vmem_shared>> -> memref<640x128xf32, #tpu.memory_space<vmem_shared>>
      tpu.enqueue_dma source(%arg5 : memref<640x128xf32, #tpu.memory_space<hbm>>) target(%dma_start3A_20 : memref<640x128xf32, #tpu.memory_space<vmem_shared>>) target_semaphore(%run_scoped3A_19 : memref<!tpu.dma_semaphore, #tpu.memory_space<semaphore_mem>>)
      %dma_wait3A = arith.constant 0 : i32
      %dma_wait3A_21 = tpu.memref_slice %arg10[%mul3A_0, %dma_wait3A] : memref<10240x128xf32, #tpu.memory_space<vmem_shared>> -> memref<640x128xf32, #tpu.memory_space<vmem_shared>>
      tpu.wait_dma2 semaphore(%run_scoped3A_19 : memref<!tpu.dma_semaphore, #tpu.memory_space<semaphore_mem>>) src(%arg5 : memref<640x128xf32, #tpu.memory_space<hbm>>) dst(%dma_wait3A_21 : memref<640x128xf32, #tpu.memory_space<vmem_shared>>)
      tpu.yield
    }) : () -> ()
    "tpu.region"() ({
      %run_scoped3A_19 = tpu.sem_alloc : memref<!tpu.dma_semaphore, #tpu.memory_space<semaphore_mem>>
      %dma_start3A = arith.constant 0 : i32
      %dma_start3A_20 = arith.constant 0 : i32
      %dma_start3A_21 = tpu.memref_slice %arg3[%arg0, %arg1, %dma_start3A, %dma_start3A_20] : memref<2x16x84x128xi32, #tpu.memory_space<hbm>> -> memref<1x1x84x128xi32, #tpu.memory_space<hbm>>
      %dma_start3A_22 = tpu.memref_squeeze %dma_start3A_21 : memref<1x1x84x128xi32, #tpu.memory_space<hbm>> -> memref<84x128xi32, #tpu.memory_space<hbm>>
      %dma_start3A_23 = arith.constant 0 : i32
      %dma_start3A_24 = arith.constant 0 : i32
      %dma_start3A_25 = tpu.memref_slice %arg3[%arg0, %arg1, %dma_start3A_23, %dma_start3A_24] : memref<2x16x84x128xi32, #tpu.memory_space<hbm>> -> memref<1x1x84x128xi32, #tpu.memory_space<hbm>>
      %dma_start3A_26 = tpu.memref_squeeze %dma_start3A_25 : memref<1x1x84x128xi32, #tpu.memory_space<hbm>> -> memref<84x128xi32, #tpu.memory_space<hbm>>
      tpu.enqueue_dma source(%dma_start3A_26 : memref<84x128xi32, #tpu.memory_space<hbm>>) target(%arg7 : memref<84x128xi32, #tpu.memory_space<vmem>>) target_semaphore(%run_scoped3A_19 : memref<!tpu.dma_semaphore, #tpu.memory_space<semaphore_mem>>)
      %dma_wait3A = arith.constant 0 : i32
      %dma_wait3A_27 = arith.constant 0 : i32
      %dma_wait3A_28 = tpu.memref_slice %arg3[%arg0, %arg1, %dma_wait3A, %dma_wait3A_27] : memref<2x16x84x128xi32, #tpu.memory_space<hbm>> -> memref<1x1x84x128xi32, #tpu.memory_space<hbm>>
      %dma_wait3A_29 = tpu.memref_squeeze %dma_wait3A_28 : memref<1x1x84x128xi32, #tpu.memory_space<hbm>> -> memref<84x128xi32, #tpu.memory_space<hbm>>
      %dma_wait3A_30 = arith.constant 0 : i32
      %dma_wait3A_31 = arith.constant 0 : i32
      %dma_wait3A_32 = tpu.memref_slice %arg3[%arg0, %arg1, %dma_wait3A_30, %dma_wait3A_31] : memref<2x16x84x128xi32, #tpu.memory_space<hbm>> -> memref<1x1x84x128xi32, #tpu.memory_space<hbm>>
      %dma_wait3A_33 = tpu.memref_squeeze %dma_wait3A_32 : memref<1x1x84x128xi32, #tpu.memory_space<hbm>> -> memref<84x128xi32, #tpu.memory_space<hbm>>
      tpu.wait_dma2 semaphore(%run_scoped3A_19 : memref<!tpu.dma_semaphore, #tpu.memory_space<semaphore_mem>>) src(%dma_wait3A_33 : memref<84x128xi32, #tpu.memory_space<hbm>>) dst(%arg7 : memref<84x128xi32, #tpu.memory_space<vmem>>)
      tpu.yield
    }) : () -> ()
    "tpu.region"() ({
      %run_scoped3A_19 = tpu.sem_alloc : memref<!tpu.dma_semaphore, #tpu.memory_space<semaphore_mem>>
      %dma_start3A = arith.constant 0 : i32
      %dma_start3A_20 = arith.constant 0 : i32
      %dma_start3A_21 = tpu.memref_slice %arg4[%arg0, %arg1, %dma_start3A, %dma_start3A_20] : memref<2x16x84x128xi32, #tpu.memory_space<hbm>> -> memref<1x1x84x128xi32, #tpu.memory_space<hbm>>
      %dma_start3A_22 = tpu.memref_squeeze %dma_start3A_21 : memref<1x1x84x128xi32, #tpu.memory_space<hbm>> -> memref<84x128xi32, #tpu.memory_space<hbm>>
      %dma_start3A_23 = arith.constant 0 : i32
      %dma_start3A_24 = arith.constant 0 : i32
      %dma_start3A_25 = tpu.memref_slice %arg4[%arg0, %arg1, %dma_start3A_23, %dma_start3A_24] : memref<2x16x84x128xi32, #tpu.memory_space<hbm>> -> memref<1x1x84x128xi32, #tpu.memory_space<hbm>>
      %dma_start3A_26 = tpu.memref_squeeze %dma_start3A_25 : memref<1x1x84x128xi32, #tpu.memory_space<hbm>> -> memref<84x128xi32, #tpu.memory_space<hbm>>
      tpu.enqueue_dma source(%dma_start3A_26 : memref<84x128xi32, #tpu.memory_space<hbm>>) target(%arg8 : memref<84x128xi32, #tpu.memory_space<vmem>>) target_semaphore(%run_scoped3A_19 : memref<!tpu.dma_semaphore, #tpu.memory_space<semaphore_mem>>)
      %dma_wait3A = arith.constant 0 : i32
      %dma_wait3A_27 = arith.constant 0 : i32
      %dma_wait3A_28 = tpu.memref_slice %arg4[%arg0, %arg1, %dma_wait3A, %dma_wait3A_27] : memref<2x16x84x128xi32, #tpu.memory_space<hbm>> -> memref<1x1x84x128xi32, #tpu.memory_space<hbm>>
      %dma_wait3A_29 = tpu.memref_squeeze %dma_wait3A_28 : memref<1x1x84x128xi32, #tpu.memory_space<hbm>> -> memref<84x128xi32, #tpu.memory_space<hbm>>
      %dma_wait3A_30 = arith.constant 0 : i32
      %dma_wait3A_31 = arith.constant 0 : i32
      %dma_wait3A_32 = tpu.memref_slice %arg4[%arg0, %arg1, %dma_wait3A_30, %dma_wait3A_31] : memref<2x16x84x128xi32, #tpu.memory_space<hbm>> -> memref<1x1x84x128xi32, #tpu.memory_space<hbm>>
      %dma_wait3A_33 = tpu.memref_squeeze %dma_wait3A_32 : memref<1x1x84x128xi32, #tpu.memory_space<hbm>> -> memref<84x128xi32, #tpu.memory_space<hbm>>
      tpu.wait_dma2 semaphore(%run_scoped3A_19 : memref<!tpu.dma_semaphore, #tpu.memory_space<semaphore_mem>>) src(%dma_wait3A_33 : memref<84x128xi32, #tpu.memory_space<hbm>>) dst(%arg8 : memref<84x128xi32, #tpu.memory_space<vmem>>)
      tpu.yield
    }) : () -> ()
    %barrier3A = arith.constant 0 : index
    tpu.barrier barrier_id(%barrier3A)
    %scan3A = arith.constant 0 : i32
    %scan3A_1 = arith.constant 0 : i32
    %scan3A_2 = arith.constant 80 : i32
    %scan3A_3 = arith.addi %scan3A_1, %scan3A_2 : i32
    %scan3A_4 = arith.constant 1 : i32
    scf.for %scan3A_19 = %scan3A_1 to %scan3A_3 step %scan3A_4  : i32 {
      %dma_start3A = arith.constant 0 : i32
      %dma_start3A_20 = tpu.memref_slice %arg7[%scan3A_19, %dma_start3A] : memref<84x128xi32, #tpu.memory_space<vmem>> -> memref<1x128xi32, #tpu.memory_space<vmem>>
      %dma_start3A_21 = tpu.memref_squeeze %dma_start3A_20 : memref<1x128xi32, #tpu.memory_space<vmem>> -> memref<128xi32, #tpu.memory_space<vmem>>
      %dma_start3A_22 = arith.constant 0 : i32
      %dma_start3A_23 = arith.constant 0 : i32
      %dma_start3A_24 = tpu.memref_slice %arg2[%dma_start3A_22, %dma_start3A_23] : memref<2048x128xf32, #tpu.memory_space<hbm>> -> memref<2048x128xf32, #tpu.memory_space<hbm>>
      tpu.enqueue_indirect_dma source(%dma_start3A_24 : memref<2048x128xf32, #tpu.memory_space<hbm>>) target(%arg9 : memref<128x128xf32, #tpu.memory_space<vmem>>) offsets(%dma_start3A_21 : memref<128xi32, #tpu.memory_space<vmem>>) semaphore(%arg11 : memref<!tpu.dma_semaphore, #tpu.memory_space<semaphore_mem>>)
      %dma_wait3A = arith.constant 0 : i32
      %dma_wait3A_25 = tpu.memref_slice %arg7[%scan3A_19, %dma_wait3A] : memref<84x128xi32, #tpu.memory_space<vmem>> -> memref<1x128xi32, #tpu.memory_space<vmem>>
      %dma_wait3A_26 = tpu.memref_squeeze %dma_wait3A_25 : memref<1x128xi32, #tpu.memory_space<vmem>> -> memref<128xi32, #tpu.memory_space<vmem>>
      %dma_wait3A_27 = arith.constant 0 : i32
      %dma_wait3A_28 = arith.constant 0 : i32
      %dma_wait3A_29 = tpu.memref_slice %arg2[%dma_wait3A_27, %dma_wait3A_28] : memref<2048x128xf32, #tpu.memory_space<hbm>> -> memref<2048x128xf32, #tpu.memory_space<hbm>>
      tpu.wait_indirect_dma semaphore(%arg11 : memref<!tpu.dma_semaphore, #tpu.memory_space<semaphore_mem>>) src(%dma_wait3A_29 : memref<2048x128xf32, #tpu.memory_space<hbm>>) dst(%arg9 : memref<128x128xf32, #tpu.memory_space<vmem>>)
      "tpu.region"() ({
        %run_scoped3A_30 = tpu.sem_alloc : memref<!tpu.dma_semaphore, #tpu.memory_space<semaphore_mem>>
        %dma_start3A_31 = arith.constant 0 : i32
        %dma_start3A_32 = tpu.memref_slice %arg8[%scan3A_19, %dma_start3A_31] : memref<84x128xi32, #tpu.memory_space<vmem>> -> memref<1x128xi32, #tpu.memory_space<vmem>>
        %dma_start3A_33 = tpu.memref_squeeze %dma_start3A_32 : memref<1x128xi32, #tpu.memory_space<vmem>> -> memref<128xi32, #tpu.memory_space<vmem>>
        %dma_start3A_34 = arith.constant 0 : i32
        %dma_start3A_35 = arith.constant 0 : i32
        %dma_start3A_36 = tpu.memref_slice %arg10[%dma_start3A_34, %dma_start3A_35] : memref<10240x128xf32, #tpu.memory_space<vmem_shared>> -> memref<10240x128xf32, #tpu.memory_space<vmem_shared>>
        tpu.enqueue_indirect_dma source(%arg9 : memref<128x128xf32, #tpu.memory_space<vmem>>) target(%dma_start3A_36 : memref<10240x128xf32, #tpu.memory_space<vmem_shared>>) offsets(%dma_start3A_33 : memref<128xi32, #tpu.memory_space<vmem>>) semaphore(%run_scoped3A_30 : memref<!tpu.dma_semaphore, #tpu.memory_space<semaphore_mem>>) {add = true}
        %dma_wait3A_37 = arith.constant 0 : i32
        %dma_wait3A_38 = tpu.memref_slice %arg8[%scan3A_19, %dma_wait3A_37] : memref<84x128xi32, #tpu.memory_space<vmem>> -> memref<1x128xi32, #tpu.memory_space<vmem>>
        %dma_wait3A_39 = tpu.memref_squeeze %dma_wait3A_38 : memref<1x128xi32, #tpu.memory_space<vmem>> -> memref<128xi32, #tpu.memory_space<vmem>>
        %dma_wait3A_40 = arith.constant 0 : i32
        %dma_wait3A_41 = arith.constant 0 : i32
        %dma_wait3A_42 = tpu.memref_slice %arg10[%dma_wait3A_40, %dma_wait3A_41] : memref<10240x128xf32, #tpu.memory_space<vmem_shared>> -> memref<10240x128xf32, #tpu.memory_space<vmem_shared>>
        tpu.wait_indirect_dma semaphore(%run_scoped3A_30 : memref<!tpu.dma_semaphore, #tpu.memory_space<semaphore_mem>>) src(%arg9 : memref<128x128xf32, #tpu.memory_space<vmem>>) dst(%dma_wait3A_42 : memref<10240x128xf32, #tpu.memory_space<vmem_shared>>)
        tpu.yield
      }) : () -> ()
    }
    %scan3A_5 = arith.constant 80 : i32
    %barrier3A_6 = arith.constant 0 : index
    tpu.barrier barrier_id(%barrier3A_6)
    %mul3A_7 = arith.constant 320 : i32
    %mul3A_8 = arith.muli %arg1, %mul3A_7 : i32
    %add3A = arith.constant 0 : i32
    %add3A_9 = arith.addi %add3A, %mul3A_8 : i32
    %mul3A_10 = arith.constant 320 : i32
    %mul3A_11 = arith.muli %arg1, %mul3A_10 : i32
    %run_scoped3A = arith.constant 0 : i32
    "tpu.region"() ({
      %run_scoped3A_19 = tpu.sem_alloc : memref<!tpu.dma_semaphore, #tpu.memory_space<semaphore_mem>>
      %dma_start3A = arith.constant 0 : i32
      %dma_start3A_20 = tpu.memref_slice %arg6[%arg0, %run_scoped3A, %mul3A_11, %dma_start3A] : memref<2x2x5120x128xf32, #tpu.memory_space<hbm>> -> memref<1x1x320x128xf32, #tpu.memory_space<hbm>>
      %dma_start3A_21 = tpu.memref_squeeze %dma_start3A_20 : memref<1x1x320x128xf32, #tpu.memory_space<hbm>> -> memref<320x128xf32, #tpu.memory_space<hbm>>
      %dma_start3A_22 = arith.constant 0 : i32
      %dma_start3A_23 = tpu.memref_slice %arg10[%add3A_9, %dma_start3A_22] : memref<10240x128xf32, #tpu.memory_space<vmem_shared>> -> memref<320x128xf32, #tpu.memory_space<vmem_shared>>
      tpu.enqueue_dma source(%dma_start3A_23 : memref<320x128xf32, #tpu.memory_space<vmem_shared>>) target(%dma_start3A_21 : memref<320x128xf32, #tpu.memory_space<hbm>>) target_semaphore(%run_scoped3A_19 : memref<!tpu.dma_semaphore, #tpu.memory_space<semaphore_mem>>)
      %dma_wait3A = arith.constant 0 : i32
      %dma_wait3A_24 = tpu.memref_slice %arg6[%arg0, %run_scoped3A, %mul3A_11, %dma_wait3A] : memref<2x2x5120x128xf32, #tpu.memory_space<hbm>> -> memref<1x1x320x128xf32, #tpu.memory_space<hbm>>
      %dma_wait3A_25 = tpu.memref_squeeze %dma_wait3A_24 : memref<1x1x320x128xf32, #tpu.memory_space<hbm>> -> memref<320x128xf32, #tpu.memory_space<hbm>>
      %dma_wait3A_26 = arith.constant 0 : i32
      %dma_wait3A_27 = tpu.memref_slice %arg10[%add3A_9, %dma_wait3A_26] : memref<10240x128xf32, #tpu.memory_space<vmem_shared>> -> memref<320x128xf32, #tpu.memory_space<vmem_shared>>
      tpu.wait_dma2 semaphore(%run_scoped3A_19 : memref<!tpu.dma_semaphore, #tpu.memory_space<semaphore_mem>>) src(%dma_wait3A_27 : memref<320x128xf32, #tpu.memory_space<vmem_shared>>) dst(%dma_wait3A_25 : memref<320x128xf32, #tpu.memory_space<hbm>>)
      tpu.yield
    }) : () -> ()
    %mul3A_12 = arith.constant 320 : i32
    %mul3A_13 = arith.muli %arg1, %mul3A_12 : i32
    %add3A_14 = arith.constant 5120 : i32
    %add3A_15 = arith.addi %add3A_14, %mul3A_13 : i32
    %mul3A_16 = arith.constant 320 : i32
    %mul3A_17 = arith.muli %arg1, %mul3A_16 : i32
    %run_scoped3A_18 = arith.constant 1 : i32
    "tpu.region"() ({
      %run_scoped3A_19 = tpu.sem_alloc : memref<!tpu.dma_semaphore, #tpu.memory_space<semaphore_mem>>
      %dma_start3A = arith.constant 0 : i32
      %dma_start3A_20 = tpu.memref_slice %arg6[%arg0, %run_scoped3A_18, %mul3A_17, %dma_start3A] : memref<2x2x5120x128xf32, #tpu.memory_space<hbm>> -> memref<1x1x320x128xf32, #tpu.memory_space<hbm>>
      %dma_start3A_21 = tpu.memref_squeeze %dma_start3A_20 : memref<1x1x320x128xf32, #tpu.memory_space<hbm>> -> memref<320x128xf32, #tpu.memory_space<hbm>>
      %dma_start3A_22 = arith.constant 0 : i32
      %dma_start3A_23 = tpu.memref_slice %arg10[%add3A_15, %dma_start3A_22] : memref<10240x128xf32, #tpu.memory_space<vmem_shared>> -> memref<320x128xf32, #tpu.memory_space<vmem_shared>>
      tpu.enqueue_dma source(%dma_start3A_23 : memref<320x128xf32, #tpu.memory_space<vmem_shared>>) target(%dma_start3A_21 : memref<320x128xf32, #tpu.memory_space<hbm>>) target_semaphore(%run_scoped3A_19 : memref<!tpu.dma_semaphore, #tpu.memory_space<semaphore_mem>>)
      %dma_wait3A = arith.constant 0 : i32
      %dma_wait3A_24 = tpu.memref_slice %arg6[%arg0, %run_scoped3A_18, %mul3A_17, %dma_wait3A] : memref<2x2x5120x128xf32, #tpu.memory_space<hbm>> -> memref<1x1x320x128xf32, #tpu.memory_space<hbm>>
      %dma_wait3A_25 = tpu.memref_squeeze %dma_wait3A_24 : memref<1x1x320x128xf32, #tpu.memory_space<hbm>> -> memref<320x128xf32, #tpu.memory_space<hbm>>
      %dma_wait3A_26 = arith.constant 0 : i32
      %dma_wait3A_27 = tpu.memref_slice %arg10[%add3A_15, %dma_wait3A_26] : memref<10240x128xf32, #tpu.memory_space<vmem_shared>> -> memref<320x128xf32, #tpu.memory_space<vmem_shared>>
      tpu.wait_dma2 semaphore(%run_scoped3A_19 : memref<!tpu.dma_semaphore, #tpu.memory_space<semaphore_mem>>) src(%dma_wait3A_27 : memref<320x128xf32, #tpu.memory_space<vmem_shared>>) dst(%dma_wait3A_25 : memref<320x128xf32, #tpu.memory_space<hbm>>)
      tpu.yield
    }) : () -> ()
    return
  }
}

#map = affine_map<(d0, d1) -> (0, 0)>
#map1 = affine_map<(d0, d1) -> (0, 0, 0, 0)>
module attributes {stable_mosaic.version = 14 : i64} {
  func.func @_sc_aggregate(%arg0: i32, %arg1: i32, %arg2: memref<11000x128xf32, #tpu.memory_space<hbm>>, %arg3: memref<2x16x84x128xi32, #tpu.memory_space<hbm>>, %arg4: memref<2x16x84x128xi32, #tpu.memory_space<hbm>>, %arg5: memref<640x128xf32, #tpu.memory_space<hbm>>, %arg6: memref<2x2x5120x128xf32, #tpu.memory_space<hbm>>, %arg7: memref<84x128xi32, #tpu.memory_space<vmem>>, %arg8: memref<84x128xi32, #tpu.memory_space<vmem>>, %arg9: memref<128x128xf32, #tpu.memory_space<vmem>>, %arg10: memref<10240x128xf32, #tpu.memory_space<vmem_shared>>, %arg11: memref<!tpu.dma_semaphore, #tpu.memory_space<semaphore_mem>>) attributes {dimension_semantics = [#tpu.dimension_semantics<core_parallel>, #tpu.dimension_semantics<subcore_parallel>], iteration_bounds = array<i64: 2, 16>, scalar_prefetch = 0 : i64, scratch_operands = 5 : i64, tpu.core_type = #tpu.core_type<sc_vector_subcore>, window_params = [{transform_indices = #map}, {transform_indices = #map1}, {transform_indices = #map1}, {transform_indices = #map}, {transform_indices = #map1}]} {
    %mul3A = arith.constant 640 : i32
    %mul3A_0 = arith.muli %arg1, %mul3A : i32
    "tpu.region"() ({
      %run_scoped3A_19 = tpu.sem_alloc : memref<!tpu.dma_semaphore, #tpu.memory_space<semaphore_mem>>
      %dma_start3A = arith.constant 0 : i32
      %dma_start3A_20 = tpu.memref_slice %arg10[%mul3A_0, %dma_start3A] : memref<10240x128xf32, #tpu.memory_space<vmem_shared>> -> memref<640x128xf32, #tpu.memory_space<vmem_shared>>
      tpu.enqueue_dma source(%arg5 : memref<640x128xf32, #tpu.memory_space<hbm>>) target(%dma_start3A_20 : memref<640x128xf32, #tpu.memory_space<vmem_shared>>) target_semaphore(%run_scoped3A_19 : memref<!tpu.dma_semaphore, #tpu.memory_space<semaphore_mem>>)
      %dma_wait3A = arith.constant 0 : i32
      %dma_wait3A_21 = tpu.memref_slice %arg10[%mul3A_0, %dma_wait3A] : memref<10240x128xf32, #tpu.memory_space<vmem_shared>> -> memref<640x128xf32, #tpu.memory_space<vmem_shared>>
      tpu.wait_dma2 semaphore(%run_scoped3A_19 : memref<!tpu.dma_semaphore, #tpu.memory_space<semaphore_mem>>) src(%arg5 : memref<640x128xf32, #tpu.memory_space<hbm>>) dst(%dma_wait3A_21 : memref<640x128xf32, #tpu.memory_space<vmem_shared>>)
      tpu.yield
    }) : () -> ()
    "tpu.region"() ({
      %run_scoped3A_19 = tpu.sem_alloc : memref<!tpu.dma_semaphore, #tpu.memory_space<semaphore_mem>>
      %dma_start3A = arith.constant 0 : i32
      %dma_start3A_20 = arith.constant 0 : i32
      %dma_start3A_21 = tpu.memref_slice %arg3[%arg0, %arg1, %dma_start3A, %dma_start3A_20] : memref<2x16x84x128xi32, #tpu.memory_space<hbm>> -> memref<1x1x84x128xi32, #tpu.memory_space<hbm>>
      %dma_start3A_22 = tpu.memref_squeeze %dma_start3A_21 : memref<1x1x84x128xi32, #tpu.memory_space<hbm>> -> memref<84x128xi32, #tpu.memory_space<hbm>>
      %dma_start3A_23 = arith.constant 0 : i32
      %dma_start3A_24 = arith.constant 0 : i32
      %dma_start3A_25 = tpu.memref_slice %arg3[%arg0, %arg1, %dma_start3A_23, %dma_start3A_24] : memref<2x16x84x128xi32, #tpu.memory_space<hbm>> -> memref<1x1x84x128xi32, #tpu.memory_space<hbm>>
      %dma_start3A_26 = tpu.memref_squeeze %dma_start3A_25 : memref<1x1x84x128xi32, #tpu.memory_space<hbm>> -> memref<84x128xi32, #tpu.memory_space<hbm>>
      tpu.enqueue_dma source(%dma_start3A_26 : memref<84x128xi32, #tpu.memory_space<hbm>>) target(%arg7 : memref<84x128xi32, #tpu.memory_space<vmem>>) target_semaphore(%run_scoped3A_19 : memref<!tpu.dma_semaphore, #tpu.memory_space<semaphore_mem>>)
      %dma_wait3A = arith.constant 0 : i32
      %dma_wait3A_27 = arith.constant 0 : i32
      %dma_wait3A_28 = tpu.memref_slice %arg3[%arg0, %arg1, %dma_wait3A, %dma_wait3A_27] : memref<2x16x84x128xi32, #tpu.memory_space<hbm>> -> memref<1x1x84x128xi32, #tpu.memory_space<hbm>>
      %dma_wait3A_29 = tpu.memref_squeeze %dma_wait3A_28 : memref<1x1x84x128xi32, #tpu.memory_space<hbm>> -> memref<84x128xi32, #tpu.memory_space<hbm>>
      %dma_wait3A_30 = arith.constant 0 : i32
      %dma_wait3A_31 = arith.constant 0 : i32
      %dma_wait3A_32 = tpu.memref_slice %arg3[%arg0, %arg1, %dma_wait3A_30, %dma_wait3A_31] : memref<2x16x84x128xi32, #tpu.memory_space<hbm>> -> memref<1x1x84x128xi32, #tpu.memory_space<hbm>>
      %dma_wait3A_33 = tpu.memref_squeeze %dma_wait3A_32 : memref<1x1x84x128xi32, #tpu.memory_space<hbm>> -> memref<84x128xi32, #tpu.memory_space<hbm>>
      tpu.wait_dma2 semaphore(%run_scoped3A_19 : memref<!tpu.dma_semaphore, #tpu.memory_space<semaphore_mem>>) src(%dma_wait3A_33 : memref<84x128xi32, #tpu.memory_space<hbm>>) dst(%arg7 : memref<84x128xi32, #tpu.memory_space<vmem>>)
      tpu.yield
    }) : () -> ()
    "tpu.region"() ({
      %run_scoped3A_19 = tpu.sem_alloc : memref<!tpu.dma_semaphore, #tpu.memory_space<semaphore_mem>>
      %dma_start3A = arith.constant 0 : i32
      %dma_start3A_20 = arith.constant 0 : i32
      %dma_start3A_21 = tpu.memref_slice %arg4[%arg0, %arg1, %dma_start3A, %dma_start3A_20] : memref<2x16x84x128xi32, #tpu.memory_space<hbm>> -> memref<1x1x84x128xi32, #tpu.memory_space<hbm>>
      %dma_start3A_22 = tpu.memref_squeeze %dma_start3A_21 : memref<1x1x84x128xi32, #tpu.memory_space<hbm>> -> memref<84x128xi32, #tpu.memory_space<hbm>>
      %dma_start3A_23 = arith.constant 0 : i32
      %dma_start3A_24 = arith.constant 0 : i32
      %dma_start3A_25 = tpu.memref_slice %arg4[%arg0, %arg1, %dma_start3A_23, %dma_start3A_24] : memref<2x16x84x128xi32, #tpu.memory_space<hbm>> -> memref<1x1x84x128xi32, #tpu.memory_space<hbm>>
      %dma_start3A_26 = tpu.memref_squeeze %dma_start3A_25 : memref<1x1x84x128xi32, #tpu.memory_space<hbm>> -> memref<84x128xi32, #tpu.memory_space<hbm>>
      tpu.enqueue_dma source(%dma_start3A_26 : memref<84x128xi32, #tpu.memory_space<hbm>>) target(%arg8 : memref<84x128xi32, #tpu.memory_space<vmem>>) target_semaphore(%run_scoped3A_19 : memref<!tpu.dma_semaphore, #tpu.memory_space<semaphore_mem>>)
      %dma_wait3A = arith.constant 0 : i32
      %dma_wait3A_27 = arith.constant 0 : i32
      %dma_wait3A_28 = tpu.memref_slice %arg4[%arg0, %arg1, %dma_wait3A, %dma_wait3A_27] : memref<2x16x84x128xi32, #tpu.memory_space<hbm>> -> memref<1x1x84x128xi32, #tpu.memory_space<hbm>>
      %dma_wait3A_29 = tpu.memref_squeeze %dma_wait3A_28 : memref<1x1x84x128xi32, #tpu.memory_space<hbm>> -> memref<84x128xi32, #tpu.memory_space<hbm>>
      %dma_wait3A_30 = arith.constant 0 : i32
      %dma_wait3A_31 = arith.constant 0 : i32
      %dma_wait3A_32 = tpu.memref_slice %arg4[%arg0, %arg1, %dma_wait3A_30, %dma_wait3A_31] : memref<2x16x84x128xi32, #tpu.memory_space<hbm>> -> memref<1x1x84x128xi32, #tpu.memory_space<hbm>>
      %dma_wait3A_33 = tpu.memref_squeeze %dma_wait3A_32 : memref<1x1x84x128xi32, #tpu.memory_space<hbm>> -> memref<84x128xi32, #tpu.memory_space<hbm>>
      tpu.wait_dma2 semaphore(%run_scoped3A_19 : memref<!tpu.dma_semaphore, #tpu.memory_space<semaphore_mem>>) src(%dma_wait3A_33 : memref<84x128xi32, #tpu.memory_space<hbm>>) dst(%arg8 : memref<84x128xi32, #tpu.memory_space<vmem>>)
      tpu.yield
    }) : () -> ()
    %barrier3A = arith.constant 0 : index
    tpu.barrier barrier_id(%barrier3A)
    %scan3A = arith.constant 0 : i32
    %scan3A_1 = arith.constant 0 : i32
    %scan3A_2 = arith.constant 80 : i32
    %scan3A_3 = arith.addi %scan3A_1, %scan3A_2 : i32
    %scan3A_4 = arith.constant 1 : i32
    scf.for %scan3A_19 = %scan3A_1 to %scan3A_3 step %scan3A_4  : i32 {
      %dma_start3A = arith.constant 0 : i32
      %dma_start3A_20 = tpu.memref_slice %arg7[%scan3A_19, %dma_start3A] : memref<84x128xi32, #tpu.memory_space<vmem>> -> memref<1x128xi32, #tpu.memory_space<vmem>>
      %dma_start3A_21 = tpu.memref_squeeze %dma_start3A_20 : memref<1x128xi32, #tpu.memory_space<vmem>> -> memref<128xi32, #tpu.memory_space<vmem>>
      %dma_start3A_22 = arith.constant 0 : i32
      %dma_start3A_23 = arith.constant 0 : i32
      %dma_start3A_24 = tpu.memref_slice %arg2[%dma_start3A_22, %dma_start3A_23] : memref<11000x128xf32, #tpu.memory_space<hbm>> -> memref<11000x128xf32, #tpu.memory_space<hbm>>
      tpu.enqueue_indirect_dma source(%dma_start3A_24 : memref<11000x128xf32, #tpu.memory_space<hbm>>) target(%arg9 : memref<128x128xf32, #tpu.memory_space<vmem>>) offsets(%dma_start3A_21 : memref<128xi32, #tpu.memory_space<vmem>>) semaphore(%arg11 : memref<!tpu.dma_semaphore, #tpu.memory_space<semaphore_mem>>)
      %dma_wait3A = arith.constant 0 : i32
      %dma_wait3A_25 = tpu.memref_slice %arg7[%scan3A_19, %dma_wait3A] : memref<84x128xi32, #tpu.memory_space<vmem>> -> memref<1x128xi32, #tpu.memory_space<vmem>>
      %dma_wait3A_26 = tpu.memref_squeeze %dma_wait3A_25 : memref<1x128xi32, #tpu.memory_space<vmem>> -> memref<128xi32, #tpu.memory_space<vmem>>
      %dma_wait3A_27 = arith.constant 0 : i32
      %dma_wait3A_28 = arith.constant 0 : i32
      %dma_wait3A_29 = tpu.memref_slice %arg2[%dma_wait3A_27, %dma_wait3A_28] : memref<11000x128xf32, #tpu.memory_space<hbm>> -> memref<11000x128xf32, #tpu.memory_space<hbm>>
      tpu.wait_indirect_dma semaphore(%arg11 : memref<!tpu.dma_semaphore, #tpu.memory_space<semaphore_mem>>) src(%dma_wait3A_29 : memref<11000x128xf32, #tpu.memory_space<hbm>>) dst(%arg9 : memref<128x128xf32, #tpu.memory_space<vmem>>)
      "tpu.region"() ({
        %run_scoped3A_30 = tpu.sem_alloc : memref<!tpu.dma_semaphore, #tpu.memory_space<semaphore_mem>>
        %dma_start3A_31 = arith.constant 0 : i32
        %dma_start3A_32 = tpu.memref_slice %arg8[%scan3A_19, %dma_start3A_31] : memref<84x128xi32, #tpu.memory_space<vmem>> -> memref<1x128xi32, #tpu.memory_space<vmem>>
        %dma_start3A_33 = tpu.memref_squeeze %dma_start3A_32 : memref<1x128xi32, #tpu.memory_space<vmem>> -> memref<128xi32, #tpu.memory_space<vmem>>
        %dma_start3A_34 = arith.constant 0 : i32
        %dma_start3A_35 = arith.constant 0 : i32
        %dma_start3A_36 = tpu.memref_slice %arg10[%dma_start3A_34, %dma_start3A_35] : memref<10240x128xf32, #tpu.memory_space<vmem_shared>> -> memref<10240x128xf32, #tpu.memory_space<vmem_shared>>
        tpu.enqueue_indirect_dma source(%arg9 : memref<128x128xf32, #tpu.memory_space<vmem>>) target(%dma_start3A_36 : memref<10240x128xf32, #tpu.memory_space<vmem_shared>>) offsets(%dma_start3A_33 : memref<128xi32, #tpu.memory_space<vmem>>) semaphore(%run_scoped3A_30 : memref<!tpu.dma_semaphore, #tpu.memory_space<semaphore_mem>>) {add = true}
        %dma_wait3A_37 = arith.constant 0 : i32
        %dma_wait3A_38 = tpu.memref_slice %arg8[%scan3A_19, %dma_wait3A_37] : memref<84x128xi32, #tpu.memory_space<vmem>> -> memref<1x128xi32, #tpu.memory_space<vmem>>
        %dma_wait3A_39 = tpu.memref_squeeze %dma_wait3A_38 : memref<1x128xi32, #tpu.memory_space<vmem>> -> memref<128xi32, #tpu.memory_space<vmem>>
        %dma_wait3A_40 = arith.constant 0 : i32
        %dma_wait3A_41 = arith.constant 0 : i32
        %dma_wait3A_42 = tpu.memref_slice %arg10[%dma_wait3A_40, %dma_wait3A_41] : memref<10240x128xf32, #tpu.memory_space<vmem_shared>> -> memref<10240x128xf32, #tpu.memory_space<vmem_shared>>
        tpu.wait_indirect_dma semaphore(%run_scoped3A_30 : memref<!tpu.dma_semaphore, #tpu.memory_space<semaphore_mem>>) src(%arg9 : memref<128x128xf32, #tpu.memory_space<vmem>>) dst(%dma_wait3A_42 : memref<10240x128xf32, #tpu.memory_space<vmem_shared>>)
        tpu.yield
      }) : () -> ()
    }
    %scan3A_5 = arith.constant 80 : i32
    %barrier3A_6 = arith.constant 0 : index
    tpu.barrier barrier_id(%barrier3A_6)
    %mul3A_7 = arith.constant 320 : i32
    %mul3A_8 = arith.muli %arg1, %mul3A_7 : i32
    %add3A = arith.constant 0 : i32
    %add3A_9 = arith.addi %add3A, %mul3A_8 : i32
    %mul3A_10 = arith.constant 320 : i32
    %mul3A_11 = arith.muli %arg1, %mul3A_10 : i32
    %run_scoped3A = arith.constant 0 : i32
    "tpu.region"() ({
      %run_scoped3A_19 = tpu.sem_alloc : memref<!tpu.dma_semaphore, #tpu.memory_space<semaphore_mem>>
      %dma_start3A = arith.constant 0 : i32
      %dma_start3A_20 = tpu.memref_slice %arg6[%arg0, %run_scoped3A, %mul3A_11, %dma_start3A] : memref<2x2x5120x128xf32, #tpu.memory_space<hbm>> -> memref<1x1x320x128xf32, #tpu.memory_space<hbm>>
      %dma_start3A_21 = tpu.memref_squeeze %dma_start3A_20 : memref<1x1x320x128xf32, #tpu.memory_space<hbm>> -> memref<320x128xf32, #tpu.memory_space<hbm>>
      %dma_start3A_22 = arith.constant 0 : i32
      %dma_start3A_23 = tpu.memref_slice %arg10[%add3A_9, %dma_start3A_22] : memref<10240x128xf32, #tpu.memory_space<vmem_shared>> -> memref<320x128xf32, #tpu.memory_space<vmem_shared>>
      tpu.enqueue_dma source(%dma_start3A_23 : memref<320x128xf32, #tpu.memory_space<vmem_shared>>) target(%dma_start3A_21 : memref<320x128xf32, #tpu.memory_space<hbm>>) target_semaphore(%run_scoped3A_19 : memref<!tpu.dma_semaphore, #tpu.memory_space<semaphore_mem>>)
      %dma_wait3A = arith.constant 0 : i32
      %dma_wait3A_24 = tpu.memref_slice %arg6[%arg0, %run_scoped3A, %mul3A_11, %dma_wait3A] : memref<2x2x5120x128xf32, #tpu.memory_space<hbm>> -> memref<1x1x320x128xf32, #tpu.memory_space<hbm>>
      %dma_wait3A_25 = tpu.memref_squeeze %dma_wait3A_24 : memref<1x1x320x128xf32, #tpu.memory_space<hbm>> -> memref<320x128xf32, #tpu.memory_space<hbm>>
      %dma_wait3A_26 = arith.constant 0 : i32
      %dma_wait3A_27 = tpu.memref_slice %arg10[%add3A_9, %dma_wait3A_26] : memref<10240x128xf32, #tpu.memory_space<vmem_shared>> -> memref<320x128xf32, #tpu.memory_space<vmem_shared>>
      tpu.wait_dma2 semaphore(%run_scoped3A_19 : memref<!tpu.dma_semaphore, #tpu.memory_space<semaphore_mem>>) src(%dma_wait3A_27 : memref<320x128xf32, #tpu.memory_space<vmem_shared>>) dst(%dma_wait3A_25 : memref<320x128xf32, #tpu.memory_space<hbm>>)
      tpu.yield
    }) : () -> ()
    %mul3A_12 = arith.constant 320 : i32
    %mul3A_13 = arith.muli %arg1, %mul3A_12 : i32
    %add3A_14 = arith.constant 5120 : i32
    %add3A_15 = arith.addi %add3A_14, %mul3A_13 : i32
    %mul3A_16 = arith.constant 320 : i32
    %mul3A_17 = arith.muli %arg1, %mul3A_16 : i32
    %run_scoped3A_18 = arith.constant 1 : i32
    "tpu.region"() ({
      %run_scoped3A_19 = tpu.sem_alloc : memref<!tpu.dma_semaphore, #tpu.memory_space<semaphore_mem>>
      %dma_start3A = arith.constant 0 : i32
      %dma_start3A_20 = tpu.memref_slice %arg6[%arg0, %run_scoped3A_18, %mul3A_17, %dma_start3A] : memref<2x2x5120x128xf32, #tpu.memory_space<hbm>> -> memref<1x1x320x128xf32, #tpu.memory_space<hbm>>
      %dma_start3A_21 = tpu.memref_squeeze %dma_start3A_20 : memref<1x1x320x128xf32, #tpu.memory_space<hbm>> -> memref<320x128xf32, #tpu.memory_space<hbm>>
      %dma_start3A_22 = arith.constant 0 : i32
      %dma_start3A_23 = tpu.memref_slice %arg10[%add3A_15, %dma_start3A_22] : memref<10240x128xf32, #tpu.memory_space<vmem_shared>> -> memref<320x128xf32, #tpu.memory_space<vmem_shared>>
      tpu.enqueue_dma source(%dma_start3A_23 : memref<320x128xf32, #tpu.memory_space<vmem_shared>>) target(%dma_start3A_21 : memref<320x128xf32, #tpu.memory_space<hbm>>) target_semaphore(%run_scoped3A_19 : memref<!tpu.dma_semaphore, #tpu.memory_space<semaphore_mem>>)
      %dma_wait3A = arith.constant 0 : i32
      %dma_wait3A_24 = tpu.memref_slice %arg6[%arg0, %run_scoped3A_18, %mul3A_17, %dma_wait3A] : memref<2x2x5120x128xf32, #tpu.memory_space<hbm>> -> memref<1x1x320x128xf32, #tpu.memory_space<hbm>>
      %dma_wait3A_25 = tpu.memref_squeeze %dma_wait3A_24 : memref<1x1x320x128xf32, #tpu.memory_space<hbm>> -> memref<320x128xf32, #tpu.memory_space<hbm>>
      %dma_wait3A_26 = arith.constant 0 : i32
      %dma_wait3A_27 = tpu.memref_slice %arg10[%add3A_15, %dma_wait3A_26] : memref<10240x128xf32, #tpu.memory_space<vmem_shared>> -> memref<320x128xf32, #tpu.memory_space<vmem_shared>>
      tpu.wait_dma2 semaphore(%run_scoped3A_19 : memref<!tpu.dma_semaphore, #tpu.memory_space<semaphore_mem>>) src(%dma_wait3A_27 : memref<320x128xf32, #tpu.memory_space<vmem_shared>>) dst(%dma_wait3A_25 : memref<320x128xf32, #tpu.memory_space<hbm>>)
      tpu.yield
    }) : () -> ()
    return
  }
}

#map = affine_map<(d0, d1) -> (0, 0)>
#map1 = affine_map<(d0, d1) -> (0, 0, 0, 0)>
module attributes {stable_mosaic.version = 14 : i64} {
  func.func @_sc_aggregate(%arg0: i32, %arg1: i32, %arg2: memref<11000x128xf32, #tpu.memory_space<hbm>>, %arg3: memref<2x16x84x128xi32, #tpu.memory_space<hbm>>, %arg4: memref<2x16x84x128xi32, #tpu.memory_space<hbm>>, %arg5: memref<640x128xf32, #tpu.memory_space<hbm>>, %arg6: memref<2x2x5120x128xf32, #tpu.memory_space<hbm>>, %arg7: memref<84x128xi32, #tpu.memory_space<vmem>>, %arg8: memref<84x128xi32, #tpu.memory_space<vmem>>, %arg9: memref<128x128xf32, #tpu.memory_space<vmem>>, %arg10: memref<10240x128xf32, #tpu.memory_space<vmem_shared>>, %arg11: memref<!tpu.dma_semaphore, #tpu.memory_space<semaphore_mem>>) attributes {dimension_semantics = [#tpu.dimension_semantics<core_parallel>, #tpu.dimension_semantics<subcore_parallel>], iteration_bounds = array<i64: 2, 16>, scalar_prefetch = 0 : i64, scratch_operands = 5 : i64, tpu.core_type = #tpu.core_type<sc_vector_subcore>, window_params = [{transform_indices = #map}, {transform_indices = #map1}, {transform_indices = #map1}, {transform_indices = #map}, {transform_indices = #map1}]} {
    %mul3A = arith.constant 640 : i32
    %mul3A_0 = arith.muli %arg1, %mul3A : i32
    "tpu.region"() ({
      %run_scoped3A_19 = tpu.sem_alloc : memref<!tpu.dma_semaphore, #tpu.memory_space<semaphore_mem>>
      %dma_start3A = arith.constant 0 : i32
      %dma_start3A_20 = tpu.memref_slice %arg10[%mul3A_0, %dma_start3A] : memref<10240x128xf32, #tpu.memory_space<vmem_shared>> -> memref<640x128xf32, #tpu.memory_space<vmem_shared>>
      tpu.enqueue_dma source(%arg5 : memref<640x128xf32, #tpu.memory_space<hbm>>) target(%dma_start3A_20 : memref<640x128xf32, #tpu.memory_space<vmem_shared>>) target_semaphore(%run_scoped3A_19 : memref<!tpu.dma_semaphore, #tpu.memory_space<semaphore_mem>>)
      %dma_wait3A = arith.constant 0 : i32
      %dma_wait3A_21 = tpu.memref_slice %arg10[%mul3A_0, %dma_wait3A] : memref<10240x128xf32, #tpu.memory_space<vmem_shared>> -> memref<640x128xf32, #tpu.memory_space<vmem_shared>>
      tpu.wait_dma2 semaphore(%run_scoped3A_19 : memref<!tpu.dma_semaphore, #tpu.memory_space<semaphore_mem>>) src(%arg5 : memref<640x128xf32, #tpu.memory_space<hbm>>) dst(%dma_wait3A_21 : memref<640x128xf32, #tpu.memory_space<vmem_shared>>)
      tpu.yield
    }) : () -> ()
    "tpu.region"() ({
      %run_scoped3A_19 = tpu.sem_alloc : memref<!tpu.dma_semaphore, #tpu.memory_space<semaphore_mem>>
      %dma_start3A = arith.constant 0 : i32
      %dma_start3A_20 = arith.constant 0 : i32
      %dma_start3A_21 = tpu.memref_slice %arg3[%arg0, %arg1, %dma_start3A, %dma_start3A_20] : memref<2x16x84x128xi32, #tpu.memory_space<hbm>> -> memref<1x1x84x128xi32, #tpu.memory_space<hbm>>
      %dma_start3A_22 = tpu.memref_squeeze %dma_start3A_21 : memref<1x1x84x128xi32, #tpu.memory_space<hbm>> -> memref<84x128xi32, #tpu.memory_space<hbm>>
      %dma_start3A_23 = arith.constant 0 : i32
      %dma_start3A_24 = arith.constant 0 : i32
      %dma_start3A_25 = tpu.memref_slice %arg3[%arg0, %arg1, %dma_start3A_23, %dma_start3A_24] : memref<2x16x84x128xi32, #tpu.memory_space<hbm>> -> memref<1x1x84x128xi32, #tpu.memory_space<hbm>>
      %dma_start3A_26 = tpu.memref_squeeze %dma_start3A_25 : memref<1x1x84x128xi32, #tpu.memory_space<hbm>> -> memref<84x128xi32, #tpu.memory_space<hbm>>
      tpu.enqueue_dma source(%dma_start3A_26 : memref<84x128xi32, #tpu.memory_space<hbm>>) target(%arg7 : memref<84x128xi32, #tpu.memory_space<vmem>>) target_semaphore(%run_scoped3A_19 : memref<!tpu.dma_semaphore, #tpu.memory_space<semaphore_mem>>)
      %dma_wait3A = arith.constant 0 : i32
      %dma_wait3A_27 = arith.constant 0 : i32
      %dma_wait3A_28 = tpu.memref_slice %arg3[%arg0, %arg1, %dma_wait3A, %dma_wait3A_27] : memref<2x16x84x128xi32, #tpu.memory_space<hbm>> -> memref<1x1x84x128xi32, #tpu.memory_space<hbm>>
      %dma_wait3A_29 = tpu.memref_squeeze %dma_wait3A_28 : memref<1x1x84x128xi32, #tpu.memory_space<hbm>> -> memref<84x128xi32, #tpu.memory_space<hbm>>
      %dma_wait3A_30 = arith.constant 0 : i32
      %dma_wait3A_31 = arith.constant 0 : i32
      %dma_wait3A_32 = tpu.memref_slice %arg3[%arg0, %arg1, %dma_wait3A_30, %dma_wait3A_31] : memref<2x16x84x128xi32, #tpu.memory_space<hbm>> -> memref<1x1x84x128xi32, #tpu.memory_space<hbm>>
      %dma_wait3A_33 = tpu.memref_squeeze %dma_wait3A_32 : memref<1x1x84x128xi32, #tpu.memory_space<hbm>> -> memref<84x128xi32, #tpu.memory_space<hbm>>
      tpu.wait_dma2 semaphore(%run_scoped3A_19 : memref<!tpu.dma_semaphore, #tpu.memory_space<semaphore_mem>>) src(%dma_wait3A_33 : memref<84x128xi32, #tpu.memory_space<hbm>>) dst(%arg7 : memref<84x128xi32, #tpu.memory_space<vmem>>)
      tpu.yield
    }) : () -> ()
    "tpu.region"() ({
      %run_scoped3A_19 = tpu.sem_alloc : memref<!tpu.dma_semaphore, #tpu.memory_space<semaphore_mem>>
      %dma_start3A = arith.constant 0 : i32
      %dma_start3A_20 = arith.constant 0 : i32
      %dma_start3A_21 = tpu.memref_slice %arg4[%arg0, %arg1, %dma_start3A, %dma_start3A_20] : memref<2x16x84x128xi32, #tpu.memory_space<hbm>> -> memref<1x1x84x128xi32, #tpu.memory_space<hbm>>
      %dma_start3A_22 = tpu.memref_squeeze %dma_start3A_21 : memref<1x1x84x128xi32, #tpu.memory_space<hbm>> -> memref<84x128xi32, #tpu.memory_space<hbm>>
      %dma_start3A_23 = arith.constant 0 : i32
      %dma_start3A_24 = arith.constant 0 : i32
      %dma_start3A_25 = tpu.memref_slice %arg4[%arg0, %arg1, %dma_start3A_23, %dma_start3A_24] : memref<2x16x84x128xi32, #tpu.memory_space<hbm>> -> memref<1x1x84x128xi32, #tpu.memory_space<hbm>>
      %dma_start3A_26 = tpu.memref_squeeze %dma_start3A_25 : memref<1x1x84x128xi32, #tpu.memory_space<hbm>> -> memref<84x128xi32, #tpu.memory_space<hbm>>
      tpu.enqueue_dma source(%dma_start3A_26 : memref<84x128xi32, #tpu.memory_space<hbm>>) target(%arg8 : memref<84x128xi32, #tpu.memory_space<vmem>>) target_semaphore(%run_scoped3A_19 : memref<!tpu.dma_semaphore, #tpu.memory_space<semaphore_mem>>)
      %dma_wait3A = arith.constant 0 : i32
      %dma_wait3A_27 = arith.constant 0 : i32
      %dma_wait3A_28 = tpu.memref_slice %arg4[%arg0, %arg1, %dma_wait3A, %dma_wait3A_27] : memref<2x16x84x128xi32, #tpu.memory_space<hbm>> -> memref<1x1x84x128xi32, #tpu.memory_space<hbm>>
      %dma_wait3A_29 = tpu.memref_squeeze %dma_wait3A_28 : memref<1x1x84x128xi32, #tpu.memory_space<hbm>> -> memref<84x128xi32, #tpu.memory_space<hbm>>
      %dma_wait3A_30 = arith.constant 0 : i32
      %dma_wait3A_31 = arith.constant 0 : i32
      %dma_wait3A_32 = tpu.memref_slice %arg4[%arg0, %arg1, %dma_wait3A_30, %dma_wait3A_31] : memref<2x16x84x128xi32, #tpu.memory_space<hbm>> -> memref<1x1x84x128xi32, #tpu.memory_space<hbm>>
      %dma_wait3A_33 = tpu.memref_squeeze %dma_wait3A_32 : memref<1x1x84x128xi32, #tpu.memory_space<hbm>> -> memref<84x128xi32, #tpu.memory_space<hbm>>
      tpu.wait_dma2 semaphore(%run_scoped3A_19 : memref<!tpu.dma_semaphore, #tpu.memory_space<semaphore_mem>>) src(%dma_wait3A_33 : memref<84x128xi32, #tpu.memory_space<hbm>>) dst(%arg8 : memref<84x128xi32, #tpu.memory_space<vmem>>)
      tpu.yield
    }) : () -> ()
    %barrier3A = arith.constant 0 : index
    tpu.barrier barrier_id(%barrier3A)
    %scan3A = arith.constant 0 : i32
    %scan3A_1 = arith.constant 0 : i32
    %scan3A_2 = arith.constant 80 : i32
    %scan3A_3 = arith.addi %scan3A_1, %scan3A_2 : i32
    %scan3A_4 = arith.constant 1 : i32
    scf.for %scan3A_19 = %scan3A_1 to %scan3A_3 step %scan3A_4  : i32 {
      %dma_start3A = arith.constant 0 : i32
      %dma_start3A_20 = tpu.memref_slice %arg7[%scan3A_19, %dma_start3A] : memref<84x128xi32, #tpu.memory_space<vmem>> -> memref<1x128xi32, #tpu.memory_space<vmem>>
      %dma_start3A_21 = tpu.memref_squeeze %dma_start3A_20 : memref<1x128xi32, #tpu.memory_space<vmem>> -> memref<128xi32, #tpu.memory_space<vmem>>
      %dma_start3A_22 = arith.constant 0 : i32
      %dma_start3A_23 = arith.constant 0 : i32
      %dma_start3A_24 = tpu.memref_slice %arg2[%dma_start3A_22, %dma_start3A_23] : memref<11000x128xf32, #tpu.memory_space<hbm>> -> memref<11000x128xf32, #tpu.memory_space<hbm>>
      tpu.enqueue_indirect_dma source(%dma_start3A_24 : memref<11000x128xf32, #tpu.memory_space<hbm>>) target(%arg9 : memref<128x128xf32, #tpu.memory_space<vmem>>) offsets(%dma_start3A_21 : memref<128xi32, #tpu.memory_space<vmem>>) semaphore(%arg11 : memref<!tpu.dma_semaphore, #tpu.memory_space<semaphore_mem>>)
      %dma_wait3A = arith.constant 0 : i32
      %dma_wait3A_25 = tpu.memref_slice %arg7[%scan3A_19, %dma_wait3A] : memref<84x128xi32, #tpu.memory_space<vmem>> -> memref<1x128xi32, #tpu.memory_space<vmem>>
      %dma_wait3A_26 = tpu.memref_squeeze %dma_wait3A_25 : memref<1x128xi32, #tpu.memory_space<vmem>> -> memref<128xi32, #tpu.memory_space<vmem>>
      %dma_wait3A_27 = arith.constant 0 : i32
      %dma_wait3A_28 = arith.constant 0 : i32
      %dma_wait3A_29 = tpu.memref_slice %arg2[%dma_wait3A_27, %dma_wait3A_28] : memref<11000x128xf32, #tpu.memory_space<hbm>> -> memref<11000x128xf32, #tpu.memory_space<hbm>>
      tpu.wait_indirect_dma semaphore(%arg11 : memref<!tpu.dma_semaphore, #tpu.memory_space<semaphore_mem>>) src(%dma_wait3A_29 : memref<11000x128xf32, #tpu.memory_space<hbm>>) dst(%arg9 : memref<128x128xf32, #tpu.memory_space<vmem>>)
      "tpu.region"() ({
        %run_scoped3A_30 = tpu.sem_alloc : memref<!tpu.dma_semaphore, #tpu.memory_space<semaphore_mem>>
        %dma_start3A_31 = arith.constant 0 : i32
        %dma_start3A_32 = tpu.memref_slice %arg8[%scan3A_19, %dma_start3A_31] : memref<84x128xi32, #tpu.memory_space<vmem>> -> memref<1x128xi32, #tpu.memory_space<vmem>>
        %dma_start3A_33 = tpu.memref_squeeze %dma_start3A_32 : memref<1x128xi32, #tpu.memory_space<vmem>> -> memref<128xi32, #tpu.memory_space<vmem>>
        %dma_start3A_34 = arith.constant 0 : i32
        %dma_start3A_35 = arith.constant 0 : i32
        %dma_start3A_36 = tpu.memref_slice %arg10[%dma_start3A_34, %dma_start3A_35] : memref<10240x128xf32, #tpu.memory_space<vmem_shared>> -> memref<10240x128xf32, #tpu.memory_space<vmem_shared>>
        tpu.enqueue_indirect_dma source(%arg9 : memref<128x128xf32, #tpu.memory_space<vmem>>) target(%dma_start3A_36 : memref<10240x128xf32, #tpu.memory_space<vmem_shared>>) offsets(%dma_start3A_33 : memref<128xi32, #tpu.memory_space<vmem>>) semaphore(%run_scoped3A_30 : memref<!tpu.dma_semaphore, #tpu.memory_space<semaphore_mem>>) {add = true}
        %dma_wait3A_37 = arith.constant 0 : i32
        %dma_wait3A_38 = tpu.memref_slice %arg8[%scan3A_19, %dma_wait3A_37] : memref<84x128xi32, #tpu.memory_space<vmem>> -> memref<1x128xi32, #tpu.memory_space<vmem>>
        %dma_wait3A_39 = tpu.memref_squeeze %dma_wait3A_38 : memref<1x128xi32, #tpu.memory_space<vmem>> -> memref<128xi32, #tpu.memory_space<vmem>>
        %dma_wait3A_40 = arith.constant 0 : i32
        %dma_wait3A_41 = arith.constant 0 : i32
        %dma_wait3A_42 = tpu.memref_slice %arg10[%dma_wait3A_40, %dma_wait3A_41] : memref<10240x128xf32, #tpu.memory_space<vmem_shared>> -> memref<10240x128xf32, #tpu.memory_space<vmem_shared>>
        tpu.wait_indirect_dma semaphore(%run_scoped3A_30 : memref<!tpu.dma_semaphore, #tpu.memory_space<semaphore_mem>>) src(%arg9 : memref<128x128xf32, #tpu.memory_space<vmem>>) dst(%dma_wait3A_42 : memref<10240x128xf32, #tpu.memory_space<vmem_shared>>)
        tpu.yield
      }) : () -> ()
    }
    %scan3A_5 = arith.constant 80 : i32
    %barrier3A_6 = arith.constant 0 : index
    tpu.barrier barrier_id(%barrier3A_6)
    %mul3A_7 = arith.constant 320 : i32
    %mul3A_8 = arith.muli %arg1, %mul3A_7 : i32
    %add3A = arith.constant 0 : i32
    %add3A_9 = arith.addi %add3A, %mul3A_8 : i32
    %mul3A_10 = arith.constant 320 : i32
    %mul3A_11 = arith.muli %arg1, %mul3A_10 : i32
    %run_scoped3A = arith.constant 0 : i32
    "tpu.region"() ({
      %run_scoped3A_19 = tpu.sem_alloc : memref<!tpu.dma_semaphore, #tpu.memory_space<semaphore_mem>>
      %dma_start3A = arith.constant 0 : i32
      %dma_start3A_20 = tpu.memref_slice %arg6[%arg0, %run_scoped3A, %mul3A_11, %dma_start3A] : memref<2x2x5120x128xf32, #tpu.memory_space<hbm>> -> memref<1x1x320x128xf32, #tpu.memory_space<hbm>>
      %dma_start3A_21 = tpu.memref_squeeze %dma_start3A_20 : memref<1x1x320x128xf32, #tpu.memory_space<hbm>> -> memref<320x128xf32, #tpu.memory_space<hbm>>
      %dma_start3A_22 = arith.constant 0 : i32
      %dma_start3A_23 = tpu.memref_slice %arg10[%add3A_9, %dma_start3A_22] : memref<10240x128xf32, #tpu.memory_space<vmem_shared>> -> memref<320x128xf32, #tpu.memory_space<vmem_shared>>
      tpu.enqueue_dma source(%dma_start3A_23 : memref<320x128xf32, #tpu.memory_space<vmem_shared>>) target(%dma_start3A_21 : memref<320x128xf32, #tpu.memory_space<hbm>>) target_semaphore(%run_scoped3A_19 : memref<!tpu.dma_semaphore, #tpu.memory_space<semaphore_mem>>)
      %dma_wait3A = arith.constant 0 : i32
      %dma_wait3A_24 = tpu.memref_slice %arg6[%arg0, %run_scoped3A, %mul3A_11, %dma_wait3A] : memref<2x2x5120x128xf32, #tpu.memory_space<hbm>> -> memref<1x1x320x128xf32, #tpu.memory_space<hbm>>
      %dma_wait3A_25 = tpu.memref_squeeze %dma_wait3A_24 : memref<1x1x320x128xf32, #tpu.memory_space<hbm>> -> memref<320x128xf32, #tpu.memory_space<hbm>>
      %dma_wait3A_26 = arith.constant 0 : i32
      %dma_wait3A_27 = tpu.memref_slice %arg10[%add3A_9, %dma_wait3A_26] : memref<10240x128xf32, #tpu.memory_space<vmem_shared>> -> memref<320x128xf32, #tpu.memory_space<vmem_shared>>
      tpu.wait_dma2 semaphore(%run_scoped3A_19 : memref<!tpu.dma_semaphore, #tpu.memory_space<semaphore_mem>>) src(%dma_wait3A_27 : memref<320x128xf32, #tpu.memory_space<vmem_shared>>) dst(%dma_wait3A_25 : memref<320x128xf32, #tpu.memory_space<hbm>>)
      tpu.yield
    }) : () -> ()
    %mul3A_12 = arith.constant 320 : i32
    %mul3A_13 = arith.muli %arg1, %mul3A_12 : i32
    %add3A_14 = arith.constant 5120 : i32
    %add3A_15 = arith.addi %add3A_14, %mul3A_13 : i32
    %mul3A_16 = arith.constant 320 : i32
    %mul3A_17 = arith.muli %arg1, %mul3A_16 : i32
    %run_scoped3A_18 = arith.constant 1 : i32
    "tpu.region"() ({
      %run_scoped3A_19 = tpu.sem_alloc : memref<!tpu.dma_semaphore, #tpu.memory_space<semaphore_mem>>
      %dma_start3A = arith.constant 0 : i32
      %dma_start3A_20 = tpu.memref_slice %arg6[%arg0, %run_scoped3A_18, %mul3A_17, %dma_start3A] : memref<2x2x5120x128xf32, #tpu.memory_space<hbm>> -> memref<1x1x320x128xf32, #tpu.memory_space<hbm>>
      %dma_start3A_21 = tpu.memref_squeeze %dma_start3A_20 : memref<1x1x320x128xf32, #tpu.memory_space<hbm>> -> memref<320x128xf32, #tpu.memory_space<hbm>>
      %dma_start3A_22 = arith.constant 0 : i32
      %dma_start3A_23 = tpu.memref_slice %arg10[%add3A_15, %dma_start3A_22] : memref<10240x128xf32, #tpu.memory_space<vmem_shared>> -> memref<320x128xf32, #tpu.memory_space<vmem_shared>>
      tpu.enqueue_dma source(%dma_start3A_23 : memref<320x128xf32, #tpu.memory_space<vmem_shared>>) target(%dma_start3A_21 : memref<320x128xf32, #tpu.memory_space<hbm>>) target_semaphore(%run_scoped3A_19 : memref<!tpu.dma_semaphore, #tpu.memory_space<semaphore_mem>>)
      %dma_wait3A = arith.constant 0 : i32
      %dma_wait3A_24 = tpu.memref_slice %arg6[%arg0, %run_scoped3A_18, %mul3A_17, %dma_wait3A] : memref<2x2x5120x128xf32, #tpu.memory_space<hbm>> -> memref<1x1x320x128xf32, #tpu.memory_space<hbm>>
      %dma_wait3A_25 = tpu.memref_squeeze %dma_wait3A_24 : memref<1x1x320x128xf32, #tpu.memory_space<hbm>> -> memref<320x128xf32, #tpu.memory_space<hbm>>
      %dma_wait3A_26 = arith.constant 0 : i32
      %dma_wait3A_27 = tpu.memref_slice %arg10[%add3A_15, %dma_wait3A_26] : memref<10240x128xf32, #tpu.memory_space<vmem_shared>> -> memref<320x128xf32, #tpu.memory_space<vmem_shared>>
      tpu.wait_dma2 semaphore(%run_scoped3A_19 : memref<!tpu.dma_semaphore, #tpu.memory_space<semaphore_mem>>) src(%dma_wait3A_27 : memref<320x128xf32, #tpu.memory_space<vmem_shared>>) dst(%dma_wait3A_25 : memref<320x128xf32, #tpu.memory_space<hbm>>)
      tpu.yield
    }) : () -> ()
    return
  }
}

module attributes {stable_mosaic.version = 14 : i64} {
  func.func @_tc_proj_body(%arg0: i32, %arg1: memref<1000x256xf32, #tpu.memory_space<vmem>>, %arg2: memref<128x256xf32, #tpu.memory_space<vmem>>, %arg3: memref<1x128xf32, #tpu.memory_space<vmem>>, %arg4: memref<1000x128xf32, #tpu.memory_space<vmem>>) attributes {dimension_semantics = [#tpu.dimension_semantics<arbitrary>], iteration_bounds = array<i64: 11>, scalar_prefetch = 0 : i64, scratch_operands = 0 : i64, tpu.core_type = #tpu.core_type<tc>, window_params = [{transform_indices = @transform_0, window_bounds = array<i64: 1000, 256>}, {pipeline_mode = #tpu.pipeline_mode<synchronous>, transform_indices = @transform_1, window_bounds = array<i64: 128, 256>}, {pipeline_mode = #tpu.pipeline_mode<synchronous>, transform_indices = @transform_2, window_bounds = array<i64: 1, 128>}, {transform_indices = @transform_3, window_bounds = array<i64: 1000, 128>}]} {
    %lt3A = arith.constant 10 : i32
    %lt3A_0 = arith.cmpi slt, %arg0, %lt3A : i32
    %convert_element_type3A = arith.extui %lt3A_0 : i1 to i32
    %cond3A = arith.constant 0 : i32
    %cond3A_1 = arith.cmpi ne, %convert_element_type3A, %cond3A : i32
    scf.if %cond3A_1 {
      %get3A = arith.constant 0 : index
      %get3A_6 = arith.constant 0 : index
      %get3A_7 = vector.load %arg1[%get3A, %get3A_6] : memref<1000x256xf32, #tpu.memory_space<vmem>>, vector<1000x256xf32>
      %get3A_8 = arith.constant 0 : index
      %get3A_9 = arith.constant 0 : index
      %get3A_10 = vector.load %arg2[%get3A_8, %get3A_9] : memref<128x256xf32, #tpu.memory_space<vmem>>, vector<128x256xf32>
      %dot_general3A = arith.constant dense<0.000000e+00> : vector<1000x128xf32>
      %dot_general3A_11 = tpu.matmul %get3A_7, %get3A_10, %dot_general3A {dimension_numbers = #tpu.dot_dimension_numbers<[1], [1], [0], [0], [0, 0, 1, 0], [], []>, transpose_lhs_hint = false} : vector<1000x256xf32>, vector<128x256xf32>, vector<1000x128xf32> -> vector<1000x128xf32>
      %get3A_12 = arith.constant 0 : index
      %get3A_13 = arith.constant 0 : index
      %get3A_14 = vector.load %arg3[%get3A_12, %get3A_13] : memref<1x128xf32, #tpu.memory_space<vmem>>, vector<1x128xf32>
      %add3A = vector.broadcast %get3A_14 : vector<1x128xf32> to vector<1000x128xf32>
      %add3A_15 = arith.addf %dot_general3A_11, %add3A : vector<1000x128xf32>
      %swap3A = arith.constant 0 : index
      %swap3A_16 = arith.constant 0 : index
      %swap3A_17 = vector.load %arg4[%swap3A, %swap3A_16] : memref<1000x128xf32, #tpu.memory_space<vmem>>, vector<1000x128xf32>
      tpu.vector_store %arg4[%swap3A, %swap3A_16], %add3A_15 {strides = array<i32>} : memref<1000x128xf32, #tpu.memory_space<vmem>>, vector<1000x128xf32>,
    } else {
    }
    %eq3A = arith.constant 10 : i32
    %eq3A_2 = arith.cmpi eq, %arg0, %eq3A : i32
    %convert_element_type3A_3 = arith.extui %eq3A_2 : i1 to i32
    %cond3A_4 = arith.constant 0 : i32
    %cond3A_5 = arith.cmpi ne, %convert_element_type3A_3, %cond3A_4 : i32
    scf.if %cond3A_5 {
      %broadcast_in_dim3A = arith.constant 0.000000e+00 : f32
      %broadcast_in_dim3A_6 = vector.broadcast %broadcast_in_dim3A : f32 to vector<1000x128xf32>
      %swap3A = arith.constant 0 : index
      %swap3A_7 = arith.constant 0 : index
      %swap3A_8 = vector.load %arg4[%swap3A, %swap3A_7] : memref<1000x128xf32, #tpu.memory_space<vmem>>, vector<1000x128xf32>
      tpu.vector_store %arg4[%swap3A, %swap3A_7], %broadcast_in_dim3A_6 {strides = array<i32>} : memref<1000x128xf32, #tpu.memory_space<vmem>>, vector<1000x128xf32>,
    } else {
    }
    return
  }
  func.func @transform_0(%arg0: i32) -> (i32, i32) {
    %c0_i32 = arith.constant 0 : i32
    %c0_i32_0 = arith.constant 0 : i32
    return %arg0, %c0_i32 : i32, i32
  }
  func.func @transform_1(%arg0: i32) -> (i32, i32) {
    %c0_i32 = arith.constant 0 : i32
    %c0_i32_0 = arith.constant 0 : i32
    %c0_i32_1 = arith.constant 0 : i32
    return %c0_i32, %c0_i32_0 : i32, i32
  }
  func.func @transform_2(%arg0: i32) -> (i32, i32) {
    %c0_i32 = arith.constant 0 : i32
    %c0_i32_0 = arith.constant 0 : i32
    %c0_i32_1 = arith.constant 0 : i32
    return %c0_i32, %c0_i32_0 : i32, i32
  }
  func.func @transform_3(%arg0: i32) -> (i32, i32) {
    %c0_i32 = arith.constant 0 : i32
    %c0_i32_0 = arith.constant 0 : i32
    return %arg0, %c0_i32 : i32, i32
  }
}

module attributes {stable_mosaic.version = 14 : i64} {
  func.func @_tc_layer_body(%arg0: i32, %arg1: memref<1000x128xf32, #tpu.memory_space<vmem>>, %arg2: memref<1x1x1000x128xf32, #tpu.memory_space<vmem>>, %arg3: memref<1x1x1000x128xf32, #tpu.memory_space<vmem>>, %arg4: memref<1x1x1000x128xf32, #tpu.memory_space<vmem>>, %arg5: memref<1x1x1000x128xf32, #tpu.memory_space<vmem>>, %arg6: memref<128x128xf32, #tpu.memory_space<vmem>>, %arg7: memref<128x128xf32, #tpu.memory_space<vmem>>, %arg8: memref<128x128xf32, #tpu.memory_space<vmem>>, %arg9: memref<1x128xf32, #tpu.memory_space<vmem>>, %arg10: memref<1x128xf32, #tpu.memory_space<vmem>>, %arg11: memref<1x128xf32, #tpu.memory_space<vmem>>, %arg12: memref<1x128xf32, #tpu.memory_space<vmem>>, %arg13: memref<1x128xf32, #tpu.memory_space<vmem>>, %arg14: memref<1000x128xf32, #tpu.memory_space<vmem>>) attributes {dimension_semantics = [#tpu.dimension_semantics<arbitrary>], iteration_bounds = array<i64: 11>, scalar_prefetch = 0 : i64, scratch_operands = 0 : i64, tpu.core_type = #tpu.core_type<tc>, window_params = [{transform_indices = @transform_0, window_bounds = array<i64: 1000, 128>}, {transform_indices = @transform_1, window_bounds = array<i64: 1, 1, 1000, 128>}, {transform_indices = @transform_2, window_bounds = array<i64: 1, 1, 1000, 128>}, {transform_indices = @transform_3, window_bounds = array<i64: 1, 1, 1000, 128>}, {transform_indices = @transform_4, window_bounds = array<i64: 1, 1, 1000, 128>}, {pipeline_mode = #tpu.pipeline_mode<synchronous>, transform_indices = @transform_5, window_bounds = array<i64: 128, 128>}, {pipeline_mode = #tpu.pipeline_mode<synchronous>, transform_indices = @transform_6, window_bounds = array<i64: 128, 128>}, {pipeline_mode = #tpu.pipeline_mode<synchronous>, transform_indices = @transform_7, window_bounds = array<i64: 128, 128>}, {pipeline_mode = #tpu.pipeline_mode<synchronous>, transform_indices = @transform_8, window_bounds = array<i64: 1, 128>}, {pipeline_mode = #tpu.pipeline_mode<synchronous>, transform_indices = @transform_9, window_bounds = array<i64: 1, 128>}, {pipeline_mode = #tpu.pipeline_mode<synchronous>, transform_indices = @transform_10, window_bounds = array<i64: 1, 128>}, {pipeline_mode = #tpu.pipeline_mode<synchronous>, transform_indices = @transform_11, window_bounds = array<i64: 1, 128>}, {pipeline_mode = #tpu.pipeline_mode<synchronous>, transform_indices = @transform_12, window_bounds = array<i64: 1, 128>}, {transform_indices = @transform_13, window_bounds = array<i64: 1000, 128>}]} {
    %lt3A = arith.constant 10 : i32
    %lt3A_0 = arith.cmpi slt, %arg0, %lt3A : i32
    %convert_element_type3A = arith.extui %lt3A_0 : i1 to i32
    %cond3A = arith.constant 0 : i32
    %cond3A_1 = arith.cmpi ne, %convert_element_type3A, %cond3A : i32
    scf.if %cond3A_1 {
      %get3A = arith.constant 0 : index
      %get3A_6 = arith.constant 0 : index
      %get3A_7 = arith.constant 0 : index
      %get3A_8 = arith.constant 0 : index
      %get3A_9 = vector.load %arg2[%get3A, %get3A_6, %get3A_7, %get3A_8] : memref<1x1x1000x128xf32, #tpu.memory_space<vmem>>, vector<1x1x1000x128xf32>
      %get3A_10 = vector.shape_cast %get3A_9 : vector<1x1x1000x128xf32> to vector<1000x128xf32>
      %get3A_11 = arith.constant 0 : index
      %get3A_12 = arith.constant 0 : index
      %get3A_13 = vector.load %arg6[%get3A_11, %get3A_12] : memref<128x128xf32, #tpu.memory_space<vmem>>, vector<128x128xf32>
      %dot_general3A = arith.constant dense<0.000000e+00> : vector<1000x128xf32>
      %dot_general3A_14 = tpu.matmul %get3A_10, %get3A_13, %dot_general3A {dimension_numbers = #tpu.dot_dimension_numbers<[1], [1], [0], [0], [0, 0, 1, 0], [], []>, transpose_lhs_hint = false} : vector<1000x128xf32>, vector<128x128xf32>, vector<1000x128xf32> -> vector<1000x128xf32>
      %get3A_15 = arith.constant 0 : index
      %get3A_16 = arith.constant 0 : index
      %get3A_17 = arith.constant 0 : index
      %get3A_18 = arith.constant 0 : index
      %get3A_19 = vector.load %arg3[%get3A_15, %get3A_16, %get3A_17, %get3A_18] : memref<1x1x1000x128xf32, #tpu.memory_space<vmem>>, vector<1x1x1000x128xf32>
      %get3A_20 = vector.shape_cast %get3A_19 : vector<1x1x1000x128xf32> to vector<1000x128xf32>
      %get3A_21 = arith.constant 0 : index
      %get3A_22 = arith.constant 0 : index
      %get3A_23 = vector.load %arg7[%get3A_21, %get3A_22] : memref<128x128xf32, #tpu.memory_space<vmem>>, vector<128x128xf32>
      %dot_general3A_24 = arith.constant dense<0.000000e+00> : vector<1000x128xf32>
      %dot_general3A_25 = tpu.matmul %get3A_20, %get3A_23, %dot_general3A_24 {dimension_numbers = #tpu.dot_dimension_numbers<[1], [1], [0], [0], [0, 0, 1, 0], [], []>, transpose_lhs_hint = false} : vector<1000x128xf32>, vector<128x128xf32>, vector<1000x128xf32> -> vector<1000x128xf32>
      %add3A = arith.addf %dot_general3A_14, %dot_general3A_25 : vector<1000x128xf32>
      %get3A_26 = arith.constant 0 : index
      %get3A_27 = arith.constant 0 : index
      %get3A_28 = vector.load %arg1[%get3A_26, %get3A_27] : memref<1000x128xf32, #tpu.memory_space<vmem>>, vector<1000x128xf32>
      %get3A_29 = arith.constant 0 : index
      %get3A_30 = arith.constant 0 : index
      %get3A_31 = vector.load %arg8[%get3A_29, %get3A_30] : memref<128x128xf32, #tpu.memory_space<vmem>>, vector<128x128xf32>
      %dot_general3A_32 = arith.constant dense<0.000000e+00> : vector<1000x128xf32>
      %dot_general3A_33 = tpu.matmul %get3A_28, %get3A_31, %dot_general3A_32 {dimension_numbers = #tpu.dot_dimension_numbers<[1], [1], [0], [0], [0, 0, 1, 0], [], []>, transpose_lhs_hint = false} : vector<1000x128xf32>, vector<128x128xf32>, vector<1000x128xf32> -> vector<1000x128xf32>
      %add3A_34 = arith.addf %add3A, %dot_general3A_33 : vector<1000x128xf32>
      %get3A_35 = arith.constant 0 : index
      %get3A_36 = arith.constant 0 : index
      %get3A_37 = arith.constant 0 : index
      %get3A_38 = arith.constant 0 : index
      %get3A_39 = vector.load %arg4[%get3A_35, %get3A_36, %get3A_37, %get3A_38] : memref<1x1x1000x128xf32, #tpu.memory_space<vmem>>, vector<1x1x1000x128xf32>
      %get3A_40 = vector.shape_cast %get3A_39 : vector<1x1x1000x128xf32> to vector<1000x128xf32>
      %slice3A = vector.extract_strided_slice %get3A_40 {offsets = [0, 0], sizes = [1000, 1], strides = [1, 1]} : vector<1000x128xf32> to vector<1000x1xf32>
      %get3A_41 = arith.constant 0 : index
      %get3A_42 = arith.constant 0 : index
      %get3A_43 = arith.constant 0 : index
      %get3A_44 = arith.constant 0 : index
      %get3A_45 = vector.load %arg5[%get3A_41, %get3A_42, %get3A_43, %get3A_44] : memref<1x1x1000x128xf32, #tpu.memory_space<vmem>>, vector<1x1x1000x128xf32>
      %get3A_46 = vector.shape_cast %get3A_45 : vector<1x1x1000x128xf32> to vector<1000x128xf32>
      %slice3A_47 = vector.extract_strided_slice %get3A_46 {offsets = [0, 0], sizes = [1000, 1], strides = [1, 1]} : vector<1000x128xf32> to vector<1000x1xf32>
      %get3A_48 = arith.constant 0 : index
      %get3A_49 = arith.constant 0 : index
      %get3A_50 = vector.load %arg9[%get3A_48, %get3A_49] : memref<1x128xf32, #tpu.memory_space<vmem>>, vector<1x128xf32>
      %mul3A = vector.broadcast %slice3A : vector<1000x1xf32> to vector<1000x128xf32>
      %mul3A_51 = vector.broadcast %get3A_50 : vector<1x128xf32> to vector<1000x128xf32>
      %mul3A_52 = arith.mulf %mul3A, %mul3A_51 : vector<1000x128xf32>
      %add3A_53 = arith.addf %add3A_34, %mul3A_52 : vector<1000x128xf32>
      %get3A_54 = arith.constant 0 : index
      %get3A_55 = arith.constant 0 : index
      %get3A_56 = vector.load %arg10[%get3A_54, %get3A_55] : memref<1x128xf32, #tpu.memory_space<vmem>>, vector<1x128xf32>
      %mul3A_57 = vector.broadcast %slice3A_47 : vector<1000x1xf32> to vector<1000x128xf32>
      %mul3A_58 = vector.broadcast %get3A_56 : vector<1x128xf32> to vector<1000x128xf32>
      %mul3A_59 = arith.mulf %mul3A_57, %mul3A_58 : vector<1000x128xf32>
      %add3A_60 = arith.addf %add3A_53, %mul3A_59 : vector<1000x128xf32>
      %get3A_61 = arith.constant 0 : index
      %get3A_62 = arith.constant 0 : index
      %get3A_63 = vector.load %arg11[%get3A_61, %get3A_62] : memref<1x128xf32, #tpu.memory_space<vmem>>, vector<1x128xf32>
      %add3A_64 = vector.broadcast %get3A_63 : vector<1x128xf32> to vector<1000x128xf32>
      %add3A_65 = arith.addf %add3A_60, %add3A_64 : vector<1000x128xf32>
      %add3A_66 = arith.addf %slice3A, %slice3A_47 : vector<1000x1xf32>
      %eq3A_67 = arith.constant 0.000000e+00 : f32
      %eq3A_68 = vector.broadcast %eq3A_67 : f32 to vector<1000x1xf32>
      %eq3A_69 = arith.cmpf oeq, %add3A_66, %eq3A_68 : vector<1000x1xf32>
      %jit3A = arith.constant 1.000000e+00 : f32
      %broadcast_in_dim3A = vector.broadcast %jit3A : f32 to vector<1000x1xf32>
      %select_n3A = arith.select %eq3A_69, %broadcast_in_dim3A, %add3A_66 : vector<1000x1xi1>, vector<1000x1xf32>
      %div3A = vector.broadcast %select_n3A : vector<1000x1xf32> to vector<1000x128xf32>
      %div3A_70 = arith.divf %add3A_65, %div3A : vector<1000x128xf32>
      %max3A = arith.constant 0.000000e+00 : f32
      %max3A_71 = vector.broadcast %max3A : f32 to vector<1000x128xf32>
      %max3A_72 = arith.maximumf %div3A_70, %max3A_71 : vector<1000x128xf32>
      %get3A_73 = arith.constant 0 : index
      %get3A_74 = arith.constant 0 : index
      %get3A_75 = vector.load %arg12[%get3A_73, %get3A_74] : memref<1x128xf32, #tpu.memory_space<vmem>>, vector<1x128xf32>
      %mul3A_76 = arith.constant 0.999994993 : f32
      %mul3A_77 = vector.broadcast %mul3A_76 : f32 to vector<1x128xf32>
      %mul3A_78 = arith.mulf %get3A_75, %mul3A_77 : vector<1x128xf32>
      %mul3A_79 = vector.broadcast %mul3A_78 : vector<1x128xf32> to vector<1000x128xf32>
      %mul3A_80 = arith.mulf %max3A_72, %mul3A_79 : vector<1000x128xf32>
      %get3A_81 = arith.constant 0 : index
      %get3A_82 = arith.constant 0 : index
      %get3A_83 = vector.load %arg13[%get3A_81, %get3A_82] : memref<1x128xf32, #tpu.memory_space<vmem>>, vector<1x128xf32>
      %add3A_84 = vector.broadcast %get3A_83 : vector<1x128xf32> to vector<1000x128xf32>
      %add3A_85 = arith.addf %mul3A_80, %add3A_84 : vector<1000x128xf32>
      %max3A_86 = arith.constant 0.000000e+00 : f32
      %max3A_87 = vector.broadcast %max3A_86 : f32 to vector<1000x128xf32>
      %max3A_88 = arith.maximumf %add3A_85, %max3A_87 : vector<1000x128xf32>
      %swap3A = arith.constant 0 : index
      %swap3A_89 = arith.constant 0 : index
      %swap3A_90 = vector.load %arg14[%swap3A, %swap3A_89] : memref<1000x128xf32, #tpu.memory_space<vmem>>, vector<1000x128xf32>
      tpu.vector_store %arg14[%swap3A, %swap3A_89], %max3A_88 {strides = array<i32>} : memref<1000x128xf32, #tpu.memory_space<vmem>>, vector<1000x128xf32>,
    } else {
    }
    %eq3A = arith.constant 10 : i32
    %eq3A_2 = arith.cmpi eq, %arg0, %eq3A : i32
    %convert_element_type3A_3 = arith.extui %eq3A_2 : i1 to i32
    %cond3A_4 = arith.constant 0 : i32
    %cond3A_5 = arith.cmpi ne, %convert_element_type3A_3, %cond3A_4 : i32
    scf.if %cond3A_5 {
      %broadcast_in_dim3A = arith.constant 0.000000e+00 : f32
      %broadcast_in_dim3A_6 = vector.broadcast %broadcast_in_dim3A : f32 to vector<1000x128xf32>
      %swap3A = arith.constant 0 : index
      %swap3A_7 = arith.constant 0 : index
      %swap3A_8 = vector.load %arg14[%swap3A, %swap3A_7] : memref<1000x128xf32, #tpu.memory_space<vmem>>, vector<1000x128xf32>
      tpu.vector_store %arg14[%swap3A, %swap3A_7], %broadcast_in_dim3A_6 {strides = array<i32>} : memref<1000x128xf32, #tpu.memory_space<vmem>>, vector<1000x128xf32>,
    } else {
    }
    return
  }
  func.func @transform_0(%arg0: i32) -> (i32, i32) {
    %c0_i32 = arith.constant 0 : i32
    %c0_i32_0 = arith.constant 0 : i32
    return %arg0, %c0_i32 : i32, i32
  }
  func.func @transform_1(%arg0: i32) -> (i32, i32, i32, i32) {
    %jit3A = arith.constant 5 : i32
    %div3A = arith.divsi %arg0, %jit3A : i32
    %sign3A = arith.constant 0 : i32
    %sign3A_0 = arith.cmpi sgt, %arg0, %sign3A : i32
    %sign3A_1 = arith.extui %sign3A_0 : i1 to i32
    %sign3A_2 = arith.constant 0 : i32
    %sign3A_3 = arith.cmpi slt, %arg0, %sign3A_2 : i32
    %sign3A_4 = arith.extui %sign3A_3 : i1 to i32
    %sign3A_5 = arith.subi %sign3A_1, %sign3A_4 : i32
    %sign3A_6 = arith.constant 0 : i32
    %sign3A_7 = arith.cmpi sgt, %jit3A, %sign3A_6 : i32
    %sign3A_8 = arith.extui %sign3A_7 : i1 to i32
    %sign3A_9 = arith.constant 0 : i32
    %sign3A_10 = arith.cmpi slt, %jit3A, %sign3A_9 : i32
    %sign3A_11 = arith.extui %sign3A_10 : i1 to i32
    %sign3A_12 = arith.subi %sign3A_8, %sign3A_11 : i32
    %ne3A = arith.cmpi ne, %sign3A_5, %sign3A_12 : i32
    %rem3A = arith.remsi %arg0, %jit3A : i32
    %ne3A_13 = arith.constant 0 : i32
    %ne3A_14 = arith.cmpi ne, %rem3A, %ne3A_13 : i32
    %and3A = arith.andi %ne3A, %ne3A_14 : i1
    %sub3A = arith.constant 1 : i32
    %sub3A_15 = arith.subi %div3A, %sub3A : i32
    %select_n3A = arith.select %and3A, %sub3A_15, %div3A : i32
    %min3A = arith.constant 1 : i32
    %min3A_16 = arith.minsi %select_n3A, %min3A : i32
    %jit3A_17 = arith.constant 5 : i32
    %eq3A = arith.constant 0 : i32
    %eq3A_18 = arith.cmpi eq, %jit3A_17, %eq3A : i32
    %jit3A_19 = arith.constant 1 : i32
    %select_n3A_20 = arith.select %eq3A_18, %jit3A_19, %jit3A_17 : i32
    %rem3A_21 = arith.remsi %arg0, %select_n3A_20 : i32
    %ne3A_22 = arith.constant 0 : i32
    %ne3A_23 = arith.cmpi ne, %rem3A_21, %ne3A_22 : i32
    %lt3A = arith.constant 0 : i32
    %lt3A_24 = arith.cmpi slt, %rem3A_21, %lt3A : i32
    %lt3A_25 = arith.constant 0 : i32
    %lt3A_26 = arith.cmpi slt, %select_n3A_20, %lt3A_25 : i32
    %ne3A_27 = arith.xori %lt3A_24, %lt3A_26 : i1
    %and3A_28 = arith.andi %ne3A_27, %ne3A_23 : i1
    %add3A = arith.addi %rem3A_21, %select_n3A_20 : i32
    %select_n3A_29 = arith.select %and3A_28, %add3A, %rem3A_21 : i32
    %min3A_30 = arith.constant 4 : i32
    %min3A_31 = arith.minsi %select_n3A_29, %min3A_30 : i32
    %c0_i32 = arith.constant 0 : i32
    %c0_i32_32 = arith.constant 0 : i32
    %c0_i32_33 = arith.constant 0 : i32
    return %min3A_16, %c0_i32, %min3A_31, %c0_i32_32 : i32, i32, i32, i32
  }
  func.func @transform_2(%arg0: i32) -> (i32, i32, i32, i32) {
    %jit3A = arith.constant 5 : i32
    %div3A = arith.divsi %arg0, %jit3A : i32
    %sign3A = arith.constant 0 : i32
    %sign3A_0 = arith.cmpi sgt, %arg0, %sign3A : i32
    %sign3A_1 = arith.extui %sign3A_0 : i1 to i32
    %sign3A_2 = arith.constant 0 : i32
    %sign3A_3 = arith.cmpi slt, %arg0, %sign3A_2 : i32
    %sign3A_4 = arith.extui %sign3A_3 : i1 to i32
    %sign3A_5 = arith.subi %sign3A_1, %sign3A_4 : i32
    %sign3A_6 = arith.constant 0 : i32
    %sign3A_7 = arith.cmpi sgt, %jit3A, %sign3A_6 : i32
    %sign3A_8 = arith.extui %sign3A_7 : i1 to i32
    %sign3A_9 = arith.constant 0 : i32
    %sign3A_10 = arith.cmpi slt, %jit3A, %sign3A_9 : i32
    %sign3A_11 = arith.extui %sign3A_10 : i1 to i32
    %sign3A_12 = arith.subi %sign3A_8, %sign3A_11 : i32
    %ne3A = arith.cmpi ne, %sign3A_5, %sign3A_12 : i32
    %rem3A = arith.remsi %arg0, %jit3A : i32
    %ne3A_13 = arith.constant 0 : i32
    %ne3A_14 = arith.cmpi ne, %rem3A, %ne3A_13 : i32
    %and3A = arith.andi %ne3A, %ne3A_14 : i1
    %sub3A = arith.constant 1 : i32
    %sub3A_15 = arith.subi %div3A, %sub3A : i32
    %select_n3A = arith.select %and3A, %sub3A_15, %div3A : i32
    %min3A = arith.constant 1 : i32
    %min3A_16 = arith.minsi %select_n3A, %min3A : i32
    %jit3A_17 = arith.constant 5 : i32
    %eq3A = arith.constant 0 : i32
    %eq3A_18 = arith.cmpi eq, %jit3A_17, %eq3A : i32
    %jit3A_19 = arith.constant 1 : i32
    %select_n3A_20 = arith.select %eq3A_18, %jit3A_19, %jit3A_17 : i32
    %rem3A_21 = arith.remsi %arg0, %select_n3A_20 : i32
    %ne3A_22 = arith.constant 0 : i32
    %ne3A_23 = arith.cmpi ne, %rem3A_21, %ne3A_22 : i32
    %lt3A = arith.constant 0 : i32
    %lt3A_24 = arith.cmpi slt, %rem3A_21, %lt3A : i32
    %lt3A_25 = arith.constant 0 : i32
    %lt3A_26 = arith.cmpi slt, %select_n3A_20, %lt3A_25 : i32
    %ne3A_27 = arith.xori %lt3A_24, %lt3A_26 : i1
    %and3A_28 = arith.andi %ne3A_27, %ne3A_23 : i1
    %add3A = arith.addi %rem3A_21, %select_n3A_20 : i32
    %select_n3A_29 = arith.select %and3A_28, %add3A, %rem3A_21 : i32
    %min3A_30 = arith.constant 4 : i32
    %min3A_31 = arith.minsi %select_n3A_29, %min3A_30 : i32
    %c1_i32 = arith.constant 1 : i32
    %c0_i32 = arith.constant 0 : i32
    %c0_i32_32 = arith.constant 0 : i32
    return %min3A_16, %c1_i32, %min3A_31, %c0_i32 : i32, i32, i32, i32
  }
  func.func @transform_3(%arg0: i32) -> (i32, i32, i32, i32) {
    %jit3A = arith.constant 5 : i32
    %div3A = arith.divsi %arg0, %jit3A : i32
    %sign3A = arith.constant 0 : i32
    %sign3A_0 = arith.cmpi sgt, %arg0, %sign3A : i32
    %sign3A_1 = arith.extui %sign3A_0 : i1 to i32
    %sign3A_2 = arith.constant 0 : i32
    %sign3A_3 = arith.cmpi slt, %arg0, %sign3A_2 : i32
    %sign3A_4 = arith.extui %sign3A_3 : i1 to i32
    %sign3A_5 = arith.subi %sign3A_1, %sign3A_4 : i32
    %sign3A_6 = arith.constant 0 : i32
    %sign3A_7 = arith.cmpi sgt, %jit3A, %sign3A_6 : i32
    %sign3A_8 = arith.extui %sign3A_7 : i1 to i32
    %sign3A_9 = arith.constant 0 : i32
    %sign3A_10 = arith.cmpi slt, %jit3A, %sign3A_9 : i32
    %sign3A_11 = arith.extui %sign3A_10 : i1 to i32
    %sign3A_12 = arith.subi %sign3A_8, %sign3A_11 : i32
    %ne3A = arith.cmpi ne, %sign3A_5, %sign3A_12 : i32
    %rem3A = arith.remsi %arg0, %jit3A : i32
    %ne3A_13 = arith.constant 0 : i32
    %ne3A_14 = arith.cmpi ne, %rem3A, %ne3A_13 : i32
    %and3A = arith.andi %ne3A, %ne3A_14 : i1
    %sub3A = arith.constant 1 : i32
    %sub3A_15 = arith.subi %div3A, %sub3A : i32
    %select_n3A = arith.select %and3A, %sub3A_15, %div3A : i32
    %min3A = arith.constant 1 : i32
    %min3A_16 = arith.minsi %select_n3A, %min3A : i32
    %jit3A_17 = arith.constant 5 : i32
    %eq3A = arith.constant 0 : i32
    %eq3A_18 = arith.cmpi eq, %jit3A_17, %eq3A : i32
    %jit3A_19 = arith.constant 1 : i32
    %select_n3A_20 = arith.select %eq3A_18, %jit3A_19, %jit3A_17 : i32
    %rem3A_21 = arith.remsi %arg0, %select_n3A_20 : i32
    %ne3A_22 = arith.constant 0 : i32
    %ne3A_23 = arith.cmpi ne, %rem3A_21, %ne3A_22 : i32
    %lt3A = arith.constant 0 : i32
    %lt3A_24 = arith.cmpi slt, %rem3A_21, %lt3A : i32
    %lt3A_25 = arith.constant 0 : i32
    %lt3A_26 = arith.cmpi slt, %select_n3A_20, %lt3A_25 : i32
    %ne3A_27 = arith.xori %lt3A_24, %lt3A_26 : i1
    %and3A_28 = arith.andi %ne3A_27, %ne3A_23 : i1
    %add3A = arith.addi %rem3A_21, %select_n3A_20 : i32
    %select_n3A_29 = arith.select %and3A_28, %add3A, %rem3A_21 : i32
    %min3A_30 = arith.constant 4 : i32
    %min3A_31 = arith.minsi %select_n3A_29, %min3A_30 : i32
    %c0_i32 = arith.constant 0 : i32
    %c0_i32_32 = arith.constant 0 : i32
    %c0_i32_33 = arith.constant 0 : i32
    return %min3A_16, %c0_i32, %min3A_31, %c0_i32_32 : i32, i32, i32, i32
  }
  func.func @transform_4(%arg0: i32) -> (i32, i32, i32, i32) {
    %jit3A = arith.constant 5 : i32
    %div3A = arith.divsi %arg0, %jit3A : i32
    %sign3A = arith.constant 0 : i32
    %sign3A_0 = arith.cmpi sgt, %arg0, %sign3A : i32
    %sign3A_1 = arith.extui %sign3A_0 : i1 to i32
    %sign3A_2 = arith.constant 0 : i32
    %sign3A_3 = arith.cmpi slt, %arg0, %sign3A_2 : i32
    %sign3A_4 = arith.extui %sign3A_3 : i1 to i32
    %sign3A_5 = arith.subi %sign3A_1, %sign3A_4 : i32
    %sign3A_6 = arith.constant 0 : i32
    %sign3A_7 = arith.cmpi sgt, %jit3A, %sign3A_6 : i32
    %sign3A_8 = arith.extui %sign3A_7 : i1 to i32
    %sign3A_9 = arith.constant 0 : i32
    %sign3A_10 = arith.cmpi slt, %jit3A, %sign3A_9 : i32
    %sign3A_11 = arith.extui %sign3A_10 : i1 to i32
    %sign3A_12 = arith.subi %sign3A_8, %sign3A_11 : i32
    %ne3A = arith.cmpi ne, %sign3A_5, %sign3A_12 : i32
    %rem3A = arith.remsi %arg0, %jit3A : i32
    %ne3A_13 = arith.constant 0 : i32
    %ne3A_14 = arith.cmpi ne, %rem3A, %ne3A_13 : i32
    %and3A = arith.andi %ne3A, %ne3A_14 : i1
    %sub3A = arith.constant 1 : i32
    %sub3A_15 = arith.subi %div3A, %sub3A : i32
    %select_n3A = arith.select %and3A, %sub3A_15, %div3A : i32
    %min3A = arith.constant 1 : i32
    %min3A_16 = arith.minsi %select_n3A, %min3A : i32
    %jit3A_17 = arith.constant 5 : i32
    %eq3A = arith.constant 0 : i32
    %eq3A_18 = arith.cmpi eq, %jit3A_17, %eq3A : i32
    %jit3A_19 = arith.constant 1 : i32
    %select_n3A_20 = arith.select %eq3A_18, %jit3A_19, %jit3A_17 : i32
    %rem3A_21 = arith.remsi %arg0, %select_n3A_20 : i32
    %ne3A_22 = arith.constant 0 : i32
    %ne3A_23 = arith.cmpi ne, %rem3A_21, %ne3A_22 : i32
    %lt3A = arith.constant 0 : i32
    %lt3A_24 = arith.cmpi slt, %rem3A_21, %lt3A : i32
    %lt3A_25 = arith.constant 0 : i32
    %lt3A_26 = arith.cmpi slt, %select_n3A_20, %lt3A_25 : i32
    %ne3A_27 = arith.xori %lt3A_24, %lt3A_26 : i1
    %and3A_28 = arith.andi %ne3A_27, %ne3A_23 : i1
    %add3A = arith.addi %rem3A_21, %select_n3A_20 : i32
    %select_n3A_29 = arith.select %and3A_28, %add3A, %rem3A_21 : i32
    %min3A_30 = arith.constant 4 : i32
    %min3A_31 = arith.minsi %select_n3A_29, %min3A_30 : i32
    %c1_i32 = arith.constant 1 : i32
    %c0_i32 = arith.constant 0 : i32
    %c0_i32_32 = arith.constant 0 : i32
    return %min3A_16, %c1_i32, %min3A_31, %c0_i32 : i32, i32, i32, i32
  }
  func.func @transform_5(%arg0: i32) -> (i32, i32) {
    %c0_i32 = arith.constant 0 : i32
    %c0_i32_0 = arith.constant 0 : i32
    %c0_i32_1 = arith.constant 0 : i32
    return %c0_i32, %c0_i32_0 : i32, i32
  }
  func.func @transform_6(%arg0: i32) -> (i32, i32) {
    %c0_i32 = arith.constant 0 : i32
    %c0_i32_0 = arith.constant 0 : i32
    %c0_i32_1 = arith.constant 0 : i32
    return %c0_i32, %c0_i32_0 : i32, i32
  }
  func.func @transform_7(%arg0: i32) -> (i32, i32) {
    %c0_i32 = arith.constant 0 : i32
    %c0_i32_0 = arith.constant 0 : i32
    %c0_i32_1 = arith.constant 0 : i32
    return %c0_i32, %c0_i32_0 : i32, i32
  }
  func.func @transform_8(%arg0: i32) -> (i32, i32) {
    %c0_i32 = arith.constant 0 : i32
    %c0_i32_0 = arith.constant 0 : i32
    %c0_i32_1 = arith.constant 0 : i32
    return %c0_i32, %c0_i32_0 : i32, i32
  }
  func.func @transform_9(%arg0: i32) -> (i32, i32) {
    %c0_i32 = arith.constant 0 : i32
    %c0_i32_0 = arith.constant 0 : i32
    %c0_i32_1 = arith.constant 0 : i32
    return %c0_i32, %c0_i32_0 : i32, i32
  }
  func.func @transform_10(%arg0: i32) -> (i32, i32) {
    %c0_i32 = arith.constant 0 : i32
    %c0_i32_0 = arith.constant 0 : i32
    %c0_i32_1 = arith.constant 0 : i32
    return %c0_i32, %c0_i32_0 : i32, i32
  }
  func.func @transform_11(%arg0: i32) -> (i32, i32) {
    %c0_i32 = arith.constant 0 : i32
    %c0_i32_0 = arith.constant 0 : i32
    %c0_i32_1 = arith.constant 0 : i32
    return %c0_i32, %c0_i32_0 : i32, i32
  }
  func.func @transform_12(%arg0: i32) -> (i32, i32) {
    %c0_i32 = arith.constant 0 : i32
    %c0_i32_0 = arith.constant 0 : i32
    %c0_i32_1 = arith.constant 0 : i32
    return %c0_i32, %c0_i32_0 : i32, i32
  }
  func.func @transform_13(%arg0: i32) -> (i32, i32) {
    %c0_i32 = arith.constant 0 : i32
    %c0_i32_0 = arith.constant 0 : i32
    return %arg0, %c0_i32 : i32, i32
  }
}

module attributes {stable_mosaic.version = 14 : i64} {
  func.func @_tc_layer_body(%arg0: i32, %arg1: memref<1000x128xf32, #tpu.memory_space<vmem>>, %arg2: memref<1x1x1000x128xf32, #tpu.memory_space<vmem>>, %arg3: memref<1x1x1000x128xf32, #tpu.memory_space<vmem>>, %arg4: memref<1x1x1000x128xf32, #tpu.memory_space<vmem>>, %arg5: memref<1x1x1000x128xf32, #tpu.memory_space<vmem>>, %arg6: memref<128x128xf32, #tpu.memory_space<vmem>>, %arg7: memref<128x128xf32, #tpu.memory_space<vmem>>, %arg8: memref<128x128xf32, #tpu.memory_space<vmem>>, %arg9: memref<1x128xf32, #tpu.memory_space<vmem>>, %arg10: memref<1x128xf32, #tpu.memory_space<vmem>>, %arg11: memref<1x128xf32, #tpu.memory_space<vmem>>, %arg12: memref<1x128xf32, #tpu.memory_space<vmem>>, %arg13: memref<1x128xf32, #tpu.memory_space<vmem>>, %arg14: memref<1000x128xf32, #tpu.memory_space<vmem>>) attributes {dimension_semantics = [#tpu.dimension_semantics<arbitrary>], iteration_bounds = array<i64: 11>, scalar_prefetch = 0 : i64, scratch_operands = 0 : i64, tpu.core_type = #tpu.core_type<tc>, window_params = [{transform_indices = @transform_0, window_bounds = array<i64: 1000, 128>}, {transform_indices = @transform_1, window_bounds = array<i64: 1, 1, 1000, 128>}, {transform_indices = @transform_2, window_bounds = array<i64: 1, 1, 1000, 128>}, {transform_indices = @transform_3, window_bounds = array<i64: 1, 1, 1000, 128>}, {transform_indices = @transform_4, window_bounds = array<i64: 1, 1, 1000, 128>}, {pipeline_mode = #tpu.pipeline_mode<synchronous>, transform_indices = @transform_5, window_bounds = array<i64: 128, 128>}, {pipeline_mode = #tpu.pipeline_mode<synchronous>, transform_indices = @transform_6, window_bounds = array<i64: 128, 128>}, {pipeline_mode = #tpu.pipeline_mode<synchronous>, transform_indices = @transform_7, window_bounds = array<i64: 128, 128>}, {pipeline_mode = #tpu.pipeline_mode<synchronous>, transform_indices = @transform_8, window_bounds = array<i64: 1, 128>}, {pipeline_mode = #tpu.pipeline_mode<synchronous>, transform_indices = @transform_9, window_bounds = array<i64: 1, 128>}, {pipeline_mode = #tpu.pipeline_mode<synchronous>, transform_indices = @transform_10, window_bounds = array<i64: 1, 128>}, {pipeline_mode = #tpu.pipeline_mode<synchronous>, transform_indices = @transform_11, window_bounds = array<i64: 1, 128>}, {pipeline_mode = #tpu.pipeline_mode<synchronous>, transform_indices = @transform_12, window_bounds = array<i64: 1, 128>}, {transform_indices = @transform_13, window_bounds = array<i64: 1000, 128>}]} {
    %lt3A = arith.constant 10 : i32
    %lt3A_0 = arith.cmpi slt, %arg0, %lt3A : i32
    %convert_element_type3A = arith.extui %lt3A_0 : i1 to i32
    %cond3A = arith.constant 0 : i32
    %cond3A_1 = arith.cmpi ne, %convert_element_type3A, %cond3A : i32
    scf.if %cond3A_1 {
      %get3A = arith.constant 0 : index
      %get3A_6 = arith.constant 0 : index
      %get3A_7 = arith.constant 0 : index
      %get3A_8 = arith.constant 0 : index
      %get3A_9 = vector.load %arg2[%get3A, %get3A_6, %get3A_7, %get3A_8] : memref<1x1x1000x128xf32, #tpu.memory_space<vmem>>, vector<1x1x1000x128xf32>
      %get3A_10 = vector.shape_cast %get3A_9 : vector<1x1x1000x128xf32> to vector<1000x128xf32>
      %get3A_11 = arith.constant 0 : index
      %get3A_12 = arith.constant 0 : index
      %get3A_13 = vector.load %arg6[%get3A_11, %get3A_12] : memref<128x128xf32, #tpu.memory_space<vmem>>, vector<128x128xf32>
      %dot_general3A = arith.constant dense<0.000000e+00> : vector<1000x128xf32>
      %dot_general3A_14 = tpu.matmul %get3A_10, %get3A_13, %dot_general3A {dimension_numbers = #tpu.dot_dimension_numbers<[1], [1], [0], [0], [0, 0, 1, 0], [], []>, transpose_lhs_hint = false} : vector<1000x128xf32>, vector<128x128xf32>, vector<1000x128xf32> -> vector<1000x128xf32>
      %get3A_15 = arith.constant 0 : index
      %get3A_16 = arith.constant 0 : index
      %get3A_17 = arith.constant 0 : index
      %get3A_18 = arith.constant 0 : index
      %get3A_19 = vector.load %arg3[%get3A_15, %get3A_16, %get3A_17, %get3A_18] : memref<1x1x1000x128xf32, #tpu.memory_space<vmem>>, vector<1x1x1000x128xf32>
      %get3A_20 = vector.shape_cast %get3A_19 : vector<1x1x1000x128xf32> to vector<1000x128xf32>
      %get3A_21 = arith.constant 0 : index
      %get3A_22 = arith.constant 0 : index
      %get3A_23 = vector.load %arg7[%get3A_21, %get3A_22] : memref<128x128xf32, #tpu.memory_space<vmem>>, vector<128x128xf32>
      %dot_general3A_24 = arith.constant dense<0.000000e+00> : vector<1000x128xf32>
      %dot_general3A_25 = tpu.matmul %get3A_20, %get3A_23, %dot_general3A_24 {dimension_numbers = #tpu.dot_dimension_numbers<[1], [1], [0], [0], [0, 0, 1, 0], [], []>, transpose_lhs_hint = false} : vector<1000x128xf32>, vector<128x128xf32>, vector<1000x128xf32> -> vector<1000x128xf32>
      %add3A = arith.addf %dot_general3A_14, %dot_general3A_25 : vector<1000x128xf32>
      %get3A_26 = arith.constant 0 : index
      %get3A_27 = arith.constant 0 : index
      %get3A_28 = vector.load %arg1[%get3A_26, %get3A_27] : memref<1000x128xf32, #tpu.memory_space<vmem>>, vector<1000x128xf32>
      %get3A_29 = arith.constant 0 : index
      %get3A_30 = arith.constant 0 : index
      %get3A_31 = vector.load %arg8[%get3A_29, %get3A_30] : memref<128x128xf32, #tpu.memory_space<vmem>>, vector<128x128xf32>
      %dot_general3A_32 = arith.constant dense<0.000000e+00> : vector<1000x128xf32>
      %dot_general3A_33 = tpu.matmul %get3A_28, %get3A_31, %dot_general3A_32 {dimension_numbers = #tpu.dot_dimension_numbers<[1], [1], [0], [0], [0, 0, 1, 0], [], []>, transpose_lhs_hint = false} : vector<1000x128xf32>, vector<128x128xf32>, vector<1000x128xf32> -> vector<1000x128xf32>
      %add3A_34 = arith.addf %add3A, %dot_general3A_33 : vector<1000x128xf32>
      %get3A_35 = arith.constant 0 : index
      %get3A_36 = arith.constant 0 : index
      %get3A_37 = arith.constant 0 : index
      %get3A_38 = arith.constant 0 : index
      %get3A_39 = vector.load %arg4[%get3A_35, %get3A_36, %get3A_37, %get3A_38] : memref<1x1x1000x128xf32, #tpu.memory_space<vmem>>, vector<1x1x1000x128xf32>
      %get3A_40 = vector.shape_cast %get3A_39 : vector<1x1x1000x128xf32> to vector<1000x128xf32>
      %slice3A = vector.extract_strided_slice %get3A_40 {offsets = [0, 0], sizes = [1000, 1], strides = [1, 1]} : vector<1000x128xf32> to vector<1000x1xf32>
      %get3A_41 = arith.constant 0 : index
      %get3A_42 = arith.constant 0 : index
      %get3A_43 = arith.constant 0 : index
      %get3A_44 = arith.constant 0 : index
      %get3A_45 = vector.load %arg5[%get3A_41, %get3A_42, %get3A_43, %get3A_44] : memref<1x1x1000x128xf32, #tpu.memory_space<vmem>>, vector<1x1x1000x128xf32>
      %get3A_46 = vector.shape_cast %get3A_45 : vector<1x1x1000x128xf32> to vector<1000x128xf32>
      %slice3A_47 = vector.extract_strided_slice %get3A_46 {offsets = [0, 0], sizes = [1000, 1], strides = [1, 1]} : vector<1000x128xf32> to vector<1000x1xf32>
      %get3A_48 = arith.constant 0 : index
      %get3A_49 = arith.constant 0 : index
      %get3A_50 = vector.load %arg9[%get3A_48, %get3A_49] : memref<1x128xf32, #tpu.memory_space<vmem>>, vector<1x128xf32>
      %mul3A = vector.broadcast %slice3A : vector<1000x1xf32> to vector<1000x128xf32>
      %mul3A_51 = vector.broadcast %get3A_50 : vector<1x128xf32> to vector<1000x128xf32>
      %mul3A_52 = arith.mulf %mul3A, %mul3A_51 : vector<1000x128xf32>
      %add3A_53 = arith.addf %add3A_34, %mul3A_52 : vector<1000x128xf32>
      %get3A_54 = arith.constant 0 : index
      %get3A_55 = arith.constant 0 : index
      %get3A_56 = vector.load %arg10[%get3A_54, %get3A_55] : memref<1x128xf32, #tpu.memory_space<vmem>>, vector<1x128xf32>
      %mul3A_57 = vector.broadcast %slice3A_47 : vector<1000x1xf32> to vector<1000x128xf32>
      %mul3A_58 = vector.broadcast %get3A_56 : vector<1x128xf32> to vector<1000x128xf32>
      %mul3A_59 = arith.mulf %mul3A_57, %mul3A_58 : vector<1000x128xf32>
      %add3A_60 = arith.addf %add3A_53, %mul3A_59 : vector<1000x128xf32>
      %get3A_61 = arith.constant 0 : index
      %get3A_62 = arith.constant 0 : index
      %get3A_63 = vector.load %arg11[%get3A_61, %get3A_62] : memref<1x128xf32, #tpu.memory_space<vmem>>, vector<1x128xf32>
      %add3A_64 = vector.broadcast %get3A_63 : vector<1x128xf32> to vector<1000x128xf32>
      %add3A_65 = arith.addf %add3A_60, %add3A_64 : vector<1000x128xf32>
      %add3A_66 = arith.addf %slice3A, %slice3A_47 : vector<1000x1xf32>
      %eq3A_67 = arith.constant 0.000000e+00 : f32
      %eq3A_68 = vector.broadcast %eq3A_67 : f32 to vector<1000x1xf32>
      %eq3A_69 = arith.cmpf oeq, %add3A_66, %eq3A_68 : vector<1000x1xf32>
      %jit3A = arith.constant 1.000000e+00 : f32
      %broadcast_in_dim3A = vector.broadcast %jit3A : f32 to vector<1000x1xf32>
      %select_n3A = arith.select %eq3A_69, %broadcast_in_dim3A, %add3A_66 : vector<1000x1xi1>, vector<1000x1xf32>
      %div3A = vector.broadcast %select_n3A : vector<1000x1xf32> to vector<1000x128xf32>
      %div3A_70 = arith.divf %add3A_65, %div3A : vector<1000x128xf32>
      %max3A = arith.constant 0.000000e+00 : f32
      %max3A_71 = vector.broadcast %max3A : f32 to vector<1000x128xf32>
      %max3A_72 = arith.maximumf %div3A_70, %max3A_71 : vector<1000x128xf32>
      %swap3A = arith.constant 0 : index
      %swap3A_73 = arith.constant 0 : index
      %swap3A_74 = vector.load %arg14[%swap3A, %swap3A_73] : memref<1000x128xf32, #tpu.memory_space<vmem>>, vector<1000x128xf32>
      tpu.vector_store %arg14[%swap3A, %swap3A_73], %max3A_72 {strides = array<i32>} : memref<1000x128xf32, #tpu.memory_space<vmem>>, vector<1000x128xf32>,
    } else {
    }
    %eq3A = arith.constant 10 : i32
    %eq3A_2 = arith.cmpi eq, %arg0, %eq3A : i32
    %convert_element_type3A_3 = arith.extui %eq3A_2 : i1 to i32
    %cond3A_4 = arith.constant 0 : i32
    %cond3A_5 = arith.cmpi ne, %convert_element_type3A_3, %cond3A_4 : i32
    scf.if %cond3A_5 {
      %broadcast_in_dim3A = arith.constant 0.000000e+00 : f32
      %broadcast_in_dim3A_6 = vector.broadcast %broadcast_in_dim3A : f32 to vector<1000x128xf32>
      %swap3A = arith.constant 0 : index
      %swap3A_7 = arith.constant 0 : index
      %swap3A_8 = vector.load %arg14[%swap3A, %swap3A_7] : memref<1000x128xf32, #tpu.memory_space<vmem>>, vector<1000x128xf32>
      tpu.vector_store %arg14[%swap3A, %swap3A_7], %broadcast_in_dim3A_6 {strides = array<i32>} : memref<1000x128xf32, #tpu.memory_space<vmem>>, vector<1000x128xf32>,
    } else {
    }
    return
  }
  func.func @transform_0(%arg0: i32) -> (i32, i32) {
    %c0_i32 = arith.constant 0 : i32
    %c0_i32_0 = arith.constant 0 : i32
    return %arg0, %c0_i32 : i32, i32
  }
  func.func @transform_1(%arg0: i32) -> (i32, i32, i32, i32) {
    %jit3A = arith.constant 5 : i32
    %div3A = arith.divsi %arg0, %jit3A : i32
    %sign3A = arith.constant 0 : i32
    %sign3A_0 = arith.cmpi sgt, %arg0, %sign3A : i32
    %sign3A_1 = arith.extui %sign3A_0 : i1 to i32
    %sign3A_2 = arith.constant 0 : i32
    %sign3A_3 = arith.cmpi slt, %arg0, %sign3A_2 : i32
    %sign3A_4 = arith.extui %sign3A_3 : i1 to i32
    %sign3A_5 = arith.subi %sign3A_1, %sign3A_4 : i32
    %sign3A_6 = arith.constant 0 : i32
    %sign3A_7 = arith.cmpi sgt, %jit3A, %sign3A_6 : i32
    %sign3A_8 = arith.extui %sign3A_7 : i1 to i32
    %sign3A_9 = arith.constant 0 : i32
    %sign3A_10 = arith.cmpi slt, %jit3A, %sign3A_9 : i32
    %sign3A_11 = arith.extui %sign3A_10 : i1 to i32
    %sign3A_12 = arith.subi %sign3A_8, %sign3A_11 : i32
    %ne3A = arith.cmpi ne, %sign3A_5, %sign3A_12 : i32
    %rem3A = arith.remsi %arg0, %jit3A : i32
    %ne3A_13 = arith.constant 0 : i32
    %ne3A_14 = arith.cmpi ne, %rem3A, %ne3A_13 : i32
    %and3A = arith.andi %ne3A, %ne3A_14 : i1
    %sub3A = arith.constant 1 : i32
    %sub3A_15 = arith.subi %div3A, %sub3A : i32
    %select_n3A = arith.select %and3A, %sub3A_15, %div3A : i32
    %min3A = arith.constant 1 : i32
    %min3A_16 = arith.minsi %select_n3A, %min3A : i32
    %jit3A_17 = arith.constant 5 : i32
    %eq3A = arith.constant 0 : i32
    %eq3A_18 = arith.cmpi eq, %jit3A_17, %eq3A : i32
    %jit3A_19 = arith.constant 1 : i32
    %select_n3A_20 = arith.select %eq3A_18, %jit3A_19, %jit3A_17 : i32
    %rem3A_21 = arith.remsi %arg0, %select_n3A_20 : i32
    %ne3A_22 = arith.constant 0 : i32
    %ne3A_23 = arith.cmpi ne, %rem3A_21, %ne3A_22 : i32
    %lt3A = arith.constant 0 : i32
    %lt3A_24 = arith.cmpi slt, %rem3A_21, %lt3A : i32
    %lt3A_25 = arith.constant 0 : i32
    %lt3A_26 = arith.cmpi slt, %select_n3A_20, %lt3A_25 : i32
    %ne3A_27 = arith.xori %lt3A_24, %lt3A_26 : i1
    %and3A_28 = arith.andi %ne3A_27, %ne3A_23 : i1
    %add3A = arith.addi %rem3A_21, %select_n3A_20 : i32
    %select_n3A_29 = arith.select %and3A_28, %add3A, %rem3A_21 : i32
    %min3A_30 = arith.constant 4 : i32
    %min3A_31 = arith.minsi %select_n3A_29, %min3A_30 : i32
    %c0_i32 = arith.constant 0 : i32
    %c0_i32_32 = arith.constant 0 : i32
    %c0_i32_33 = arith.constant 0 : i32
    return %min3A_16, %c0_i32, %min3A_31, %c0_i32_32 : i32, i32, i32, i32
  }
  func.func @transform_2(%arg0: i32) -> (i32, i32, i32, i32) {
    %jit3A = arith.constant 5 : i32
    %div3A = arith.divsi %arg0, %jit3A : i32
    %sign3A = arith.constant 0 : i32
    %sign3A_0 = arith.cmpi sgt, %arg0, %sign3A : i32
    %sign3A_1 = arith.extui %sign3A_0 : i1 to i32
    %sign3A_2 = arith.constant 0 : i32
    %sign3A_3 = arith.cmpi slt, %arg0, %sign3A_2 : i32
    %sign3A_4 = arith.extui %sign3A_3 : i1 to i32
    %sign3A_5 = arith.subi %sign3A_1, %sign3A_4 : i32
    %sign3A_6 = arith.constant 0 : i32
    %sign3A_7 = arith.cmpi sgt, %jit3A, %sign3A_6 : i32
    %sign3A_8 = arith.extui %sign3A_7 : i1 to i32
    %sign3A_9 = arith.constant 0 : i32
    %sign3A_10 = arith.cmpi slt, %jit3A, %sign3A_9 : i32
    %sign3A_11 = arith.extui %sign3A_10 : i1 to i32
    %sign3A_12 = arith.subi %sign3A_8, %sign3A_11 : i32
    %ne3A = arith.cmpi ne, %sign3A_5, %sign3A_12 : i32
    %rem3A = arith.remsi %arg0, %jit3A : i32
    %ne3A_13 = arith.constant 0 : i32
    %ne3A_14 = arith.cmpi ne, %rem3A, %ne3A_13 : i32
    %and3A = arith.andi %ne3A, %ne3A_14 : i1
    %sub3A = arith.constant 1 : i32
    %sub3A_15 = arith.subi %div3A, %sub3A : i32
    %select_n3A = arith.select %and3A, %sub3A_15, %div3A : i32
    %min3A = arith.constant 1 : i32
    %min3A_16 = arith.minsi %select_n3A, %min3A : i32
    %jit3A_17 = arith.constant 5 : i32
    %eq3A = arith.constant 0 : i32
    %eq3A_18 = arith.cmpi eq, %jit3A_17, %eq3A : i32
    %jit3A_19 = arith.constant 1 : i32
    %select_n3A_20 = arith.select %eq3A_18, %jit3A_19, %jit3A_17 : i32
    %rem3A_21 = arith.remsi %arg0, %select_n3A_20 : i32
    %ne3A_22 = arith.constant 0 : i32
    %ne3A_23 = arith.cmpi ne, %rem3A_21, %ne3A_22 : i32
    %lt3A = arith.constant 0 : i32
    %lt3A_24 = arith.cmpi slt, %rem3A_21, %lt3A : i32
    %lt3A_25 = arith.constant 0 : i32
    %lt3A_26 = arith.cmpi slt, %select_n3A_20, %lt3A_25 : i32
    %ne3A_27 = arith.xori %lt3A_24, %lt3A_26 : i1
    %and3A_28 = arith.andi %ne3A_27, %ne3A_23 : i1
    %add3A = arith.addi %rem3A_21, %select_n3A_20 : i32
    %select_n3A_29 = arith.select %and3A_28, %add3A, %rem3A_21 : i32
    %min3A_30 = arith.constant 4 : i32
    %min3A_31 = arith.minsi %select_n3A_29, %min3A_30 : i32
    %c1_i32 = arith.constant 1 : i32
    %c0_i32 = arith.constant 0 : i32
    %c0_i32_32 = arith.constant 0 : i32
    return %min3A_16, %c1_i32, %min3A_31, %c0_i32 : i32, i32, i32, i32
  }
  func.func @transform_3(%arg0: i32) -> (i32, i32, i32, i32) {
    %jit3A = arith.constant 5 : i32
    %div3A = arith.divsi %arg0, %jit3A : i32
    %sign3A = arith.constant 0 : i32
    %sign3A_0 = arith.cmpi sgt, %arg0, %sign3A : i32
    %sign3A_1 = arith.extui %sign3A_0 : i1 to i32
    %sign3A_2 = arith.constant 0 : i32
    %sign3A_3 = arith.cmpi slt, %arg0, %sign3A_2 : i32
    %sign3A_4 = arith.extui %sign3A_3 : i1 to i32
    %sign3A_5 = arith.subi %sign3A_1, %sign3A_4 : i32
    %sign3A_6 = arith.constant 0 : i32
    %sign3A_7 = arith.cmpi sgt, %jit3A, %sign3A_6 : i32
    %sign3A_8 = arith.extui %sign3A_7 : i1 to i32
    %sign3A_9 = arith.constant 0 : i32
    %sign3A_10 = arith.cmpi slt, %jit3A, %sign3A_9 : i32
    %sign3A_11 = arith.extui %sign3A_10 : i1 to i32
    %sign3A_12 = arith.subi %sign3A_8, %sign3A_11 : i32
    %ne3A = arith.cmpi ne, %sign3A_5, %sign3A_12 : i32
    %rem3A = arith.remsi %arg0, %jit3A : i32
    %ne3A_13 = arith.constant 0 : i32
    %ne3A_14 = arith.cmpi ne, %rem3A, %ne3A_13 : i32
    %and3A = arith.andi %ne3A, %ne3A_14 : i1
    %sub3A = arith.constant 1 : i32
    %sub3A_15 = arith.subi %div3A, %sub3A : i32
    %select_n3A = arith.select %and3A, %sub3A_15, %div3A : i32
    %min3A = arith.constant 1 : i32
    %min3A_16 = arith.minsi %select_n3A, %min3A : i32
    %jit3A_17 = arith.constant 5 : i32
    %eq3A = arith.constant 0 : i32
    %eq3A_18 = arith.cmpi eq, %jit3A_17, %eq3A : i32
    %jit3A_19 = arith.constant 1 : i32
    %select_n3A_20 = arith.select %eq3A_18, %jit3A_19, %jit3A_17 : i32
    %rem3A_21 = arith.remsi %arg0, %select_n3A_20 : i32
    %ne3A_22 = arith.constant 0 : i32
    %ne3A_23 = arith.cmpi ne, %rem3A_21, %ne3A_22 : i32
    %lt3A = arith.constant 0 : i32
    %lt3A_24 = arith.cmpi slt, %rem3A_21, %lt3A : i32
    %lt3A_25 = arith.constant 0 : i32
    %lt3A_26 = arith.cmpi slt, %select_n3A_20, %lt3A_25 : i32
    %ne3A_27 = arith.xori %lt3A_24, %lt3A_26 : i1
    %and3A_28 = arith.andi %ne3A_27, %ne3A_23 : i1
    %add3A = arith.addi %rem3A_21, %select_n3A_20 : i32
    %select_n3A_29 = arith.select %and3A_28, %add3A, %rem3A_21 : i32
    %min3A_30 = arith.constant 4 : i32
    %min3A_31 = arith.minsi %select_n3A_29, %min3A_30 : i32
    %c0_i32 = arith.constant 0 : i32
    %c0_i32_32 = arith.constant 0 : i32
    %c0_i32_33 = arith.constant 0 : i32
    return %min3A_16, %c0_i32, %min3A_31, %c0_i32_32 : i32, i32, i32, i32
  }
  func.func @transform_4(%arg0: i32) -> (i32, i32, i32, i32) {
    %jit3A = arith.constant 5 : i32
    %div3A = arith.divsi %arg0, %jit3A : i32
    %sign3A = arith.constant 0 : i32
    %sign3A_0 = arith.cmpi sgt, %arg0, %sign3A : i32
    %sign3A_1 = arith.extui %sign3A_0 : i1 to i32
    %sign3A_2 = arith.constant 0 : i32
    %sign3A_3 = arith.cmpi slt, %arg0, %sign3A_2 : i32
    %sign3A_4 = arith.extui %sign3A_3 : i1 to i32
    %sign3A_5 = arith.subi %sign3A_1, %sign3A_4 : i32
    %sign3A_6 = arith.constant 0 : i32
    %sign3A_7 = arith.cmpi sgt, %jit3A, %sign3A_6 : i32
    %sign3A_8 = arith.extui %sign3A_7 : i1 to i32
    %sign3A_9 = arith.constant 0 : i32
    %sign3A_10 = arith.cmpi slt, %jit3A, %sign3A_9 : i32
    %sign3A_11 = arith.extui %sign3A_10 : i1 to i32
    %sign3A_12 = arith.subi %sign3A_8, %sign3A_11 : i32
    %ne3A = arith.cmpi ne, %sign3A_5, %sign3A_12 : i32
    %rem3A = arith.remsi %arg0, %jit3A : i32
    %ne3A_13 = arith.constant 0 : i32
    %ne3A_14 = arith.cmpi ne, %rem3A, %ne3A_13 : i32
    %and3A = arith.andi %ne3A, %ne3A_14 : i1
    %sub3A = arith.constant 1 : i32
    %sub3A_15 = arith.subi %div3A, %sub3A : i32
    %select_n3A = arith.select %and3A, %sub3A_15, %div3A : i32
    %min3A = arith.constant 1 : i32
    %min3A_16 = arith.minsi %select_n3A, %min3A : i32
    %jit3A_17 = arith.constant 5 : i32
    %eq3A = arith.constant 0 : i32
    %eq3A_18 = arith.cmpi eq, %jit3A_17, %eq3A : i32
    %jit3A_19 = arith.constant 1 : i32
    %select_n3A_20 = arith.select %eq3A_18, %jit3A_19, %jit3A_17 : i32
    %rem3A_21 = arith.remsi %arg0, %select_n3A_20 : i32
    %ne3A_22 = arith.constant 0 : i32
    %ne3A_23 = arith.cmpi ne, %rem3A_21, %ne3A_22 : i32
    %lt3A = arith.constant 0 : i32
    %lt3A_24 = arith.cmpi slt, %rem3A_21, %lt3A : i32
    %lt3A_25 = arith.constant 0 : i32
    %lt3A_26 = arith.cmpi slt, %select_n3A_20, %lt3A_25 : i32
    %ne3A_27 = arith.xori %lt3A_24, %lt3A_26 : i1
    %and3A_28 = arith.andi %ne3A_27, %ne3A_23 : i1
    %add3A = arith.addi %rem3A_21, %select_n3A_20 : i32
    %select_n3A_29 = arith.select %and3A_28, %add3A, %rem3A_21 : i32
    %min3A_30 = arith.constant 4 : i32
    %min3A_31 = arith.minsi %select_n3A_29, %min3A_30 : i32
    %c1_i32 = arith.constant 1 : i32
    %c0_i32 = arith.constant 0 : i32
    %c0_i32_32 = arith.constant 0 : i32
    return %min3A_16, %c1_i32, %min3A_31, %c0_i32 : i32, i32, i32, i32
  }
  func.func @transform_5(%arg0: i32) -> (i32, i32) {
    %c0_i32 = arith.constant 0 : i32
    %c0_i32_0 = arith.constant 0 : i32
    %c0_i32_1 = arith.constant 0 : i32
    return %c0_i32, %c0_i32_0 : i32, i32
  }
  func.func @transform_6(%arg0: i32) -> (i32, i32) {
    %c0_i32 = arith.constant 0 : i32
    %c0_i32_0 = arith.constant 0 : i32
    %c0_i32_1 = arith.constant 0 : i32
    return %c0_i32, %c0_i32_0 : i32, i32
  }
  func.func @transform_7(%arg0: i32) -> (i32, i32) {
    %c0_i32 = arith.constant 0 : i32
    %c0_i32_0 = arith.constant 0 : i32
    %c0_i32_1 = arith.constant 0 : i32
    return %c0_i32, %c0_i32_0 : i32, i32
  }
  func.func @transform_8(%arg0: i32) -> (i32, i32) {
    %c0_i32 = arith.constant 0 : i32
    %c0_i32_0 = arith.constant 0 : i32
    %c0_i32_1 = arith.constant 0 : i32
    return %c0_i32, %c0_i32_0 : i32, i32
  }
  func.func @transform_9(%arg0: i32) -> (i32, i32) {
    %c0_i32 = arith.constant 0 : i32
    %c0_i32_0 = arith.constant 0 : i32
    %c0_i32_1 = arith.constant 0 : i32
    return %c0_i32, %c0_i32_0 : i32, i32
  }
  func.func @transform_10(%arg0: i32) -> (i32, i32) {
    %c0_i32 = arith.constant 0 : i32
    %c0_i32_0 = arith.constant 0 : i32
    %c0_i32_1 = arith.constant 0 : i32
    return %c0_i32, %c0_i32_0 : i32, i32
  }
  func.func @transform_11(%arg0: i32) -> (i32, i32) {
    %c0_i32 = arith.constant 0 : i32
    %c0_i32_0 = arith.constant 0 : i32
    %c0_i32_1 = arith.constant 0 : i32
    return %c0_i32, %c0_i32_0 : i32, i32
  }
  func.func @transform_12(%arg0: i32) -> (i32, i32) {
    %c0_i32 = arith.constant 0 : i32
    %c0_i32_0 = arith.constant 0 : i32
    %c0_i32_1 = arith.constant 0 : i32
    return %c0_i32, %c0_i32_0 : i32, i32
  }
  func.func @transform_13(%arg0: i32) -> (i32, i32) {
    %c0_i32 = arith.constant 0 : i32
    %c0_i32_0 = arith.constant 0 : i32
    return %arg0, %c0_i32 : i32, i32
  }
}

module attributes {stable_mosaic.version = 14 : i64} {
  func.func @_tc_head_body(%arg0: i32, %arg1: memref<1000x128xf32, #tpu.memory_space<vmem>>, %arg2: memref<128x128xf32, #tpu.memory_space<vmem>>, %arg3: memref<1x128xf32, #tpu.memory_space<vmem>>, %arg4: memref<128x128xf32, #tpu.memory_space<vmem>>, %arg5: memref<1x128xf32, #tpu.memory_space<vmem>>, %arg6: memref<1x128xf32, #tpu.memory_space<vmem>>, %arg7: memref<8x128xf32, #tpu.memory_space<vmem>>) attributes {dimension_semantics = [#tpu.dimension_semantics<arbitrary>], iteration_bounds = array<i64: 11>, scalar_prefetch = 0 : i64, scratch_operands = 1 : i64, tpu.core_type = #tpu.core_type<tc>, window_params = [{transform_indices = @transform_0, window_bounds = array<i64: 1000, 128>}, {pipeline_mode = #tpu.pipeline_mode<synchronous>, transform_indices = @transform_1, window_bounds = array<i64: 128, 128>}, {pipeline_mode = #tpu.pipeline_mode<synchronous>, transform_indices = @transform_2, window_bounds = array<i64: 1, 128>}, {pipeline_mode = #tpu.pipeline_mode<synchronous>, transform_indices = @transform_3, window_bounds = array<i64: 128, 128>}, {pipeline_mode = #tpu.pipeline_mode<synchronous>, transform_indices = @transform_4, window_bounds = array<i64: 1, 128>}, {pipeline_mode = #tpu.pipeline_mode<synchronous>, transform_indices = @transform_5, window_bounds = array<i64: 1, 128>}]} {
    %eq3A = arith.constant 0 : i32
    %eq3A_0 = arith.cmpi eq, %arg0, %eq3A : i32
    %convert_element_type3A = arith.extui %eq3A_0 : i1 to i32
    %cond3A = arith.constant 0 : i32
    %cond3A_1 = arith.cmpi ne, %convert_element_type3A, %cond3A : i32
    scf.if %cond3A_1 {
      %broadcast_in_dim3A_16 = arith.constant 0.000000e+00 : f32
      %broadcast_in_dim3A_17 = vector.broadcast %broadcast_in_dim3A_16 : f32 to vector<8x128xf32>
      %swap3A_18 = arith.constant 0 : index
      %swap3A_19 = arith.constant 0 : index
      %swap3A_20 = vector.load %arg7[%swap3A_18, %swap3A_19] : memref<8x128xf32, #tpu.memory_space<vmem>>, vector<8x128xf32>
      tpu.vector_store %arg7[%swap3A_18, %swap3A_19], %broadcast_in_dim3A_17 {strides = array<i32>} : memref<8x128xf32, #tpu.memory_space<vmem>>, vector<8x128xf32>,
    } else {
    }
    %get3A = arith.constant 0 : index
    %get3A_2 = arith.constant 0 : index
    %get3A_3 = vector.load %arg7[%get3A, %get3A_2] : memref<8x128xf32, #tpu.memory_space<vmem>>, vector<8x128xf32>
    %get3A_4 = arith.constant 0 : index
    %get3A_5 = arith.constant 0 : index
    %get3A_6 = vector.load %arg1[%get3A_4, %get3A_5] : memref<1000x128xf32, #tpu.memory_space<vmem>>, vector<1000x128xf32>
    %reduce_sum3A = arith.constant dense<0.000000e+00> : vector<128xf32>
    %reduce_sum3A_7 = vector.multi_reduction <add>, %get3A_6, %reduce_sum3A [0] : vector<1000x128xf32> to vector<128xf32>
    %broadcast_in_dim3A = vector.shape_cast %reduce_sum3A_7 : vector<128xf32> to vector<1x128xf32>
    %add3A = vector.broadcast %broadcast_in_dim3A : vector<1x128xf32> to vector<8x128xf32>
    %add3A_8 = arith.addf %get3A_3, %add3A : vector<8x128xf32>
    %swap3A = arith.constant 0 : index
    %swap3A_9 = arith.constant 0 : index
    %swap3A_10 = vector.load %arg7[%swap3A, %swap3A_9] : memref<8x128xf32, #tpu.memory_space<vmem>>, vector<8x128xf32>
    tpu.vector_store %arg7[%swap3A, %swap3A_9], %add3A_8 {strides = array<i32>} : memref<8x128xf32, #tpu.memory_space<vmem>>, vector<8x128xf32>,
    %eq3A_11 = arith.constant 10 : i32
    %eq3A_12 = arith.cmpi eq, %arg0, %eq3A_11 : i32
    %convert_element_type3A_13 = arith.extui %eq3A_12 : i1 to i32
    %cond3A_14 = arith.constant 0 : i32
    %cond3A_15 = arith.cmpi ne, %convert_element_type3A_13, %cond3A_14 : i32
    scf.if %cond3A_15 {
      %get3A_16 = arith.constant 0 : index
      %get3A_17 = arith.constant 0 : index
      %get3A_18 = vector.load %arg7[%get3A_16, %get3A_17] : memref<8x128xf32, #tpu.memory_space<vmem>>, vector<1x128xf32>
      %mul3A = arith.constant 9.99999974E-5 : f32
      %mul3A_19 = vector.broadcast %mul3A : f32 to vector<1x128xf32>
      %mul3A_20 = arith.mulf %get3A_18, %mul3A_19 : vector<1x128xf32>
      %get3A_21 = arith.constant 0 : index
      %get3A_22 = arith.constant 0 : index
      %get3A_23 = vector.load %arg2[%get3A_21, %get3A_22] : memref<128x128xf32, #tpu.memory_space<vmem>>, vector<128x128xf32>
      %dot_general3A = arith.constant dense<0.000000e+00> : vector<1x128xf32>
      %dot_general3A_24 = tpu.matmul %mul3A_20, %get3A_23, %dot_general3A {dimension_numbers = #tpu.dot_dimension_numbers<[1], [1], [0], [0], [0, 0, 1, 0], [], []>, transpose_lhs_hint = false} : vector<1x128xf32>, vector<128x128xf32>, vector<1x128xf32> -> vector<1x128xf32>
      %get3A_25 = arith.constant 0 : index
      %get3A_26 = arith.constant 0 : index
      %get3A_27 = vector.load %arg3[%get3A_25, %get3A_26] : memref<1x128xf32, #tpu.memory_space<vmem>>, vector<1x128xf32>
      %add3A_28 = arith.addf %dot_general3A_24, %get3A_27 : vector<1x128xf32>
      %max3A = arith.constant 0.000000e+00 : f32
      %max3A_29 = vector.broadcast %max3A : f32 to vector<1x128xf32>
      %max3A_30 = arith.maximumf %add3A_28, %max3A_29 : vector<1x128xf32>
      %get3A_31 = arith.constant 0 : index
      %get3A_32 = arith.constant 0 : index
      %get3A_33 = vector.load %arg4[%get3A_31, %get3A_32] : memref<128x128xf32, #tpu.memory_space<vmem>>, vector<128x128xf32>
      %dot_general3A_34 = arith.constant dense<0.000000e+00> : vector<1x128xf32>
      %dot_general3A_35 = tpu.matmul %max3A_30, %get3A_33, %dot_general3A_34 {dimension_numbers = #tpu.dot_dimension_numbers<[1], [1], [0], [0], [0, 0, 1, 0], [], []>, transpose_lhs_hint = false} : vector<1x128xf32>, vector<128x128xf32>, vector<1x128xf32> -> vector<1x128xf32>
      %get3A_36 = arith.constant 0 : index
      %get3A_37 = arith.constant 0 : index
      %get3A_38 = vector.load %arg5[%get3A_36, %get3A_37] : memref<1x128xf32, #tpu.memory_space<vmem>>, vector<1x128xf32>
      %add3A_39 = arith.addf %dot_general3A_35, %get3A_38 : vector<1x128xf32>
      %swap3A_40 = arith.constant 0 : index
      %swap3A_41 = arith.constant 0 : index
      %swap3A_42 = vector.load %arg6[%swap3A_40, %swap3A_41] : memref<1x128xf32, #tpu.memory_space<vmem>>, vector<1x128xf32>
      tpu.vector_store %arg6[%swap3A_40, %swap3A_41], %add3A_39 {strides = array<i32>} : memref<1x128xf32, #tpu.memory_space<vmem>>, vector<1x128xf32>,
    } else {
    }
    return
  }
  func.func @transform_0(%arg0: i32) -> (i32, i32) {
    %c0_i32 = arith.constant 0 : i32
    %c0_i32_0 = arith.constant 0 : i32
    return %arg0, %c0_i32 : i32, i32
  }
  func.func @transform_1(%arg0: i32) -> (i32, i32) {
    %c0_i32 = arith.constant 0 : i32
    %c0_i32_0 = arith.constant 0 : i32
    %c0_i32_1 = arith.constant 0 : i32
    return %c0_i32, %c0_i32_0 : i32, i32
  }
  func.func @transform_2(%arg0: i32) -> (i32, i32) {
    %c0_i32 = arith.constant 0 : i32
    %c0_i32_0 = arith.constant 0 : i32
    %c0_i32_1 = arith.constant 0 : i32
    return %c0_i32, %c0_i32_0 : i32, i32
  }
  func.func @transform_3(%arg0: i32) -> (i32, i32) {
    %c0_i32 = arith.constant 0 : i32
    %c0_i32_0 = arith.constant 0 : i32
    %c0_i32_1 = arith.constant 0 : i32
    return %c0_i32, %c0_i32_0 : i32, i32
  }
  func.func @transform_4(%arg0: i32) -> (i32, i32) {
    %c0_i32 = arith.constant 0 : i32
    %c0_i32_0 = arith.constant 0 : i32
    %c0_i32_1 = arith.constant 0 : i32
    return %c0_i32, %c0_i32_0 : i32, i32
  }
  func.func @transform_5(%arg0: i32) -> (i32, i32) {
    %c0_i32 = arith.constant 0 : i32
    %c0_i32_0 = arith.constant 0 : i32
    %c0_i32_1 = arith.constant 0 : i32
    return %c0_i32, %c0_i32_0 : i32, i32
  }
}

</mosaic_0001>

<sc_bundles>
// kernel: kernel.11.cloned.1.call-start
scs
__scs_entry_jumppad:
0x0: {  	(pc) =	sbr.rel $0x88, $3  }
0x1: {  	(tag) =	ssettag $0x0;
	lr =	simm.s32 $0x1  }
0x2: {  	[smem:$0x3F82] =	sst lr;
	_ =	strace $0xD0000000  }
0x3: {  	_ = 	snop  }
0x4: {  	_ = 	snop  }
0x5: {  	_ = 	snop  }
0x6: {  	_ = 	snop  }
0x7: {  	_ = 	snop  }
__scs_overlays_trampoline_lowered:
0x8: {  	[smem:$0x3F91] =	sst s0  }
0x9: {  	[smem:$0x3F92] =	sst s1  }
0xa: {  	[smem:$0x3F93] =	sst s2  }
0xb: {  	[smem:$0x3F94] =	sst s3  }
0xc: {  	[smem:$0x3F95] =	sst s4  }
0xd: {  	[smem:$0x3F96] =	sst s5  }
0xe: {  	[smem:$0x3F97] =	sst s6  }
0xf: {  	[smem:$0x3F98] =	sst s7  }
0x10: {  	[smem:$0x3F99] =	sst s8  }
0x11: {  	[smem:$0x3F9A] =	sst s9;
	s0 =	simm.s32 @!p0 $0x0  }
0x12: {  	s1 =	sld [smem:$0x3F80];
	s0 =	simm.s32 @p0 $0x1  }
0x13: {  	[smem:$0x3F9B] =	sst s0;
	s0 =	simm.s32 @!p1 $0x0  }
0x14: {  	s2 =	sld [smem:$0x3F7F];
	s0 =	simm.s32 @p1 $0x1  }
0x15: {  	[smem:$0x3F9C] =	sst s0;
	s0 =	simm.s32 @!p2 $0x0  }
0x16: {  	s3 =	sld [smem:$0x3FDB];
	s0 =	simm.s32 @p2 $0x1  }
0x17: {  	s4 =	simm.s32 $0x1BF5;
	[smem:$0x3F9E] =	sst s0  }
0x18: {  	s0 =	sld [smem:$0x3F81];
	_ =	swait.ge [sflag:s4], $0x0  }
0x19: {  	s7 =	sld [smem:$0x3F82]  }
0x1a: {  	s8 =	sadd.s32 $0xFFFFE003, lr  }
0x1b: {  	s9 =	sadd.s32 $0xFFFFFEF7, lr;
	s5 =	simm.s32 $0xFFFFFFFF;
	p2 =	slt.u32 s8, $0xFFFFF086  }
0x1c: {  	p1 =	slt.u32 s9, $0xF7A;
	s5 =	simm.s32 @!p2 $0x0  }
0x1d: {  	s5 =	simm.s32 @p1 $0x1;
	p0 =	seq.s32 s7, s2  }
0x1e: {  	s7 =	smul.u32 @!p0 $0xF7A, s2;
	p2 =	seq.s32 @!p0 s5, $0x0  }
0x1f: {  	s9 =	smul.u32 $0xF7A, s1;
	s8 =	simm.s32 @!p0 $0x1BF5;
	p2 =	por !p2, p0  }
0x20: {  	[sflag:s8] =	ssyncset.s32 @!p0 $0xFFFFF086;
	s6 =	sadd.s32 @!p0 s3, s7;
	s7 =	simm.s32 @!p0 $0x108  }
0x21: {  	s3 =	sadd.s32 s3, s9;
	s6 =	sadd.s32 @!p0 $0x88, s6;
	s7 =	simm.s32 @p2 $0x1082  }
0x22: {  	[simem:s7], [sflag:s8] =	dma.local @!p0 [hbm:s6], $0xF7A  }
0x23: {  	s9 =	sor.u32 $0xD0000000, s2;
	s6 =	simm.s32 $0x108;
	_ =	swait.ge @!p0 [sflag:s8], $0x0  }
0x24: {  	s3 =	sadd.s32 $0x88, s3;
	s6 =	simm.s32 @!p1 $0x1082;
	[sflag:s4] =	ssyncset.s32 $0xFFFFF086  }
0x25: {  	[simem:s6], [sflag:s4] =	dma.local [hbm:s3], $0xF7A  }
0x26: {  	[smem:$0x3F82] =	sst s1;
	(tag) =	ssettag s2;
	_ =	strace s9  }
0x27: {  	s1 =	sld [smem:$0x3F92]  }
0x28: {  	s2 =	sld [smem:$0x3F93]  }
0x29: {  	s4 =	sld [smem:$0x3F95]  }
0x2a: {  	p0 =	seq.s32 s5, $0x0;
	s5 =	sld [smem:$0x3F96]  }
0x2b: {  	s6 =	sld [smem:$0x3F97]  }
0x2c: {  	s7 =	sld [smem:$0x3F98]  }
0x2d: {  	s3 =	simm.s32 $0x108;
	s8 =	sld [smem:$0x3F99]  }
0x2e: {  	s3 =	simm.s32 @!p0 $0x1082;
	s9 =	sld [smem:$0x3F9A]  }
0x2f: {  	lr =	sadd.s32 s0, s3;
	s0 =	sld [smem:$0x3F91]  }
0x30: {  	s3 =	sld [smem:$0x3F94]  }
0x31: {  	[smem:$0x3F9D] =	sst s10  }
0x32: {  	s10 =	sld [smem:$0x3F9B];
	_ =	sdelay $0x3  }
0x33: {  	p0 =	seq.s32 s10, $0x1;
	s10 =	sld [smem:$0x3F9D];
	_ =	sdelay $0x3  }
0x34: {  	[smem:$0x3F9D] =	sst s10  }
0x35: {  	s10 =	sld [smem:$0x3F9C];
	_ =	sdelay $0x3  }
0x36: {  	p1 =	seq.s32 s10, $0x1;
	s10 =	sld [smem:$0x3F9D];
	_ =	sdelay $0x3  }
0x37: {  	[smem:$0x3F9D] =	sst s10  }
0x38: {  	s10 =	sld [smem:$0x3F9E]  }
0x39: {  	_ = 	snop;
	(pc) =	sbr.ind lr, $3  }
0x3a: {  	_ = 	snop  }
0x3b: {  	_ = 	snop  }
0x3c: {  	p2 =	seq.s32 s10, $0x1;
	s10 =	sld [smem:$0x3F9D]  }
0x3d: {  	_ =	shalt  }
0x3e: {  	_ =	shalt  }
0x3f: {  	_ =	shalt  }
0x40: {  	_ =	shalt  }
0x41: {  	_ =	shalt  }
0x42: {  	_ =	shalt  }
0x43: {  	_ =	shalt  }
0x44: {  	_ =	shalt  }
0x45: {  	_ =	shalt  }
0x46: {  	_ =	shalt  }
0x47: {  	_ =	shalt  }
0x48: {  	_ =	shalt  }
0x49: {  	_ =	shalt  }
0x4a: {  	_ =	shalt  }
0x4b: {  	_ =	shalt  }
0x4c: {  	_ =	shalt  }
0x4d: {  	_ =	shalt  }
0x4e: {  	_ =	shalt  }
0x4f: {  	_ =	shalt  }
0x50: {  	_ =	shalt  }
0x51: {  	_ =	shalt  }
0x52: {  	_ =	shalt  }
0x53: {  	_ =	shalt  }
0x54: {  	_ =	shalt  }
0x55: {  	_ =	shalt  }
0x56: {  	_ =	shalt  }
0x57: {  	_ =	shalt  }
0x58: {  	_ =	shalt  }
0x59: {  	_ =	shalt  }
0x5a: {  	_ =	shalt  }
0x5b: {  	_ =	shalt  }
0x5c: {  	_ =	shalt  }
0x5d: {  	_ =	shalt  }
0x5e: {  	_ =	shalt  }
0x5f: {  	_ =	shalt  }
0x60: {  	_ =	shalt  }
0x61: {  	_ =	shalt  }
0x62: {  	_ =	shalt  }
0x63: {  	_ =	shalt  }
0x64: {  	_ =	shalt  }
0x65: {  	_ =	shalt  }
0x66: {  	_ =	shalt  }
0x67: {  	_ =	shalt  }
0x68: {  	_ =	shalt  }
0x69: {  	_ =	shalt  }
0x6a: {  	_ =	shalt  }
0x6b: {  	_ =	shalt  }
0x6c: {  	_ =	shalt  }
0x6d: {  	_ =	shalt  }
0x6e: {  	_ =	shalt  }
0x6f: {  	_ =	shalt  }
0x70: {  	_ =	shalt  }
0x71: {  	_ =	shalt  }
0x72: {  	_ =	shalt  }
0x73: {  	_ =	shalt  }
0x74: {  	_ =	shalt  }
0x75: {  	_ =	shalt  }
0x76: {  	_ =	shalt  }
0x77: {  	_ =	shalt  }
0x78: {  	_ =	shalt  }
0x79: {  	_ =	shalt  }
0x7a: {  	_ =	shalt  }
0x7b: {  	_ =	shalt  }
0x7c: {  	_ =	shalt  }
0x7d: {  	_ =	shalt  }
0x7e: {  	_ =	shalt  }
0x7f: {  	_ =	shalt  }
0x80: {  	_ =	shalt  }
0x81: {  	_ =	shalt  }
0x82: {  	_ =	shalt  }
0x83: {  	_ =	shalt  }
0x84: {  	_ =	shalt  }
0x85: {  	_ =	shalt  }
0x86: {  	_ =	shalt  }
0x87: {  	_ =	shalt  }
.Lfunc_end0:
.L_simem_size_0:
called_computation_lowered:
.L_overlay_start_0:
0x88: {  	s2 =	sld [smem:$0x3FD9]  }
0x89: {  	s3 =	sld [smem:$0x3FFE];
	_ =	sdelay $0x1  }
0x8a: {  	s1 =	srdreg.scid  }
0x8b: {  	s0 =	sand.u32 $0x1, s1  }
0x8c: {  	s16 =	sshll.u32 s0, $0xA;
	s2 =	sadd.s32 s3, s2  }
0x8d: {  	s2 =	sadd.s32 s2, s16  }
0x8e: {  	[smem:$0x3FA9] =	sst s2  }
0x8f: {  	_ = 	snop  }
0x90: {  	(tm) =	ssettm $0x1  }
0x91: {  	s17 =	sld [smem:$0x3FFB];
	_ =	sdelay $0x3  }
0x92: {  	_ =	strace s17  }
0x93: {  	s2 =	sld [smem:$0x3FFC];
	_ =	sdelay $0x3  }
0x94: {  	_ =	strace s2  }
0x95: {  	s2 =	sld [smem:$0x3FFD];
	_ =	sdelay $0x3  }
0x96: {  	_ =	strace s2  }
0x97: {  	_ =	strace $0x8FFFFFFF  }
0x98: {  	s18 =	sld [smem:$0x3FDB];
	_ =	sdelay $0x1  }
0x99: {  	s19 =	simm.s32 $_scs_section_size  }
0x9a: {  	s4 =	simm.s32 $_size__tile_overlayer_lowered;
	s5 =	simm.s32 $_tile_overlayer_lowered  }
0x9b: {  	s22 =	simm.s32 $0x1BFF;
	s21 =	sshll.u32 s5, $0x1;
	s2 =	sadd.s32 s19, s18  }
0x9c: {  	s6 =	simm.s32 $0x0;
	s20 =	sshll.u32 s4, $0x1;
	s4 =	sadd.s32 s21, s2  }
0x9d: {  	[timem:s6], [sflag:s22] =	dma.local [hbm:s4], s20  }
0x9e: {  	_ =	swait.ge [sflag:s22], s20  }
0x9f: {  	s3 =	ssub.s32 $0x0, s20;
	[sflag:s22] =	ssyncset.done $0x0  }
0xa0: {  	[sflag:s22] =	ssyncadd.s32 s3;
	_ =	sdelay $0x1  }
0xa1: {  	s23 =	simm.s32 $0x1B8B  }
0xa2: {  	_ =	swait.ge [sflag:s23], $0x1  }
0xa3: {  	[sflag:s23] =	ssyncset.done $0x0  }
0xa4: {  	s25 =	simm.s32 $0x1B8E;
	s24 =	sld [smem:$0x3FFE];
	[sflag:s23] =	ssyncadd.s32 $0xFFFFFFFF  }
0xa5: {  	s26 =	simm.s32 $execute0_lowered;
	[smem:$0x3FD2] =	sst s25  }
0xa6: {  	s4 =	sshll.u32 s26, $0x1;
	_ =	strace $0x80000046;
	[dreg:$0x1] =	wrdreg $0xFFFFFFFF  }
0xa7: {  	s28 =	simm.s32 $_size_execute0_lowered;
	s2 =	sadd.s32 s2, s4;
	[dreg:$0x0] =	wrdreg $0x0  }
0xa8: {  	s4 =	sshll.u32 s28, $0x1;
	[dreg:$0x2] =	wrdreg s2  }
0xa9: {  	[dreg:$0x3] =	wrdreg s4  }
0xaa: {  	[dreg:$0x4] =	wrdreg $0xC0  }
0xab: {  	_ =	task [dreg:s6], $0x5FFFF  }
0xac: {  	[dreg:$0x1] =	wrdreg $0xFFFFFFFF  }
0xad: {  	[dreg:$0x0] =	wrdreg $0x60  }
0xae: {  	[dreg:$0x2] =	wrdreg s24  }
0xaf: {  	[dreg:$0x3] =	wrdreg $0x98000  }
0xb0: {  	[dreg:$0x4] =	wrdreg $0x9  }
0xb1: {  	_ =	task.clear_ibuf [dreg:s6], $0x5FFFF;
	_ =	strace $0x90000046  }
0xb2: {  	s29 =	simm.s32 $0x9;
	_ =	strace $0x80000048  }
0xb3: {  	_ =	swait.ge [sflag:s29], $0x1  }
0xb4: {  	[sflag:s29] =	ssyncadd.s32 $0xFFFFFFFF  }
0xb5: {  	_ =	strace $0x90000048  }
0xb6: {  	_ =	sfence  }
0xb7: {  	s30 =	sld [smem:$0x0];
	_ =	sdelay $0x2  }
0xb8: {  	s31 =	sshll.u32 s1, $0xD;
	s1 =	sshrl.u32 s1, $0x2  }
0xb9: {  	s3 =	sand.u32 $0x4000, s31;
	s1 =	sadd.s32 s1, s30  }
0xba: {  	s0 =	sor.u32 s3, s0;
	s1 =	sshll.u32 s1, $0x11  }
0xbb: {  	s0 =	sor.u32 s1, s0  }
0xbc: {  	s0 =	sadd.s32 $0x8F2B, s0  }
0xbd: {  	[sflag:s0] =	ssyncadd.remote.s32 $0x1  }
0xbe: {  	_ =	sfence.sel $0xFFFF  }
0xbf: {  	[dreg:$0x0] =	wrdreg $0xFFFFFFFF;
	(pc) =	sbr.abs _section_cstart, $3  }
0xc0: {  	[dreg:$0x1] =	wrdreg $0xFFFFFFFF  }
0xc1: {  	_ =	task.clear_ibuf [dreg:s6], $0x2FFFF;
	_ =	strace $0x9FFFFFFF  }
0xc2: {  	(tm) =	ssettm $0x7FFFFFFF  }
0xc3: {  	_ =	shalt  }
tec
execute0_lowered:
.L_overlay_start_1:
0x0: {  	(tag) =	ssettag $0x1  }
0x1: {  	s6 =	rddreg [dreg:$0x0]  }
0x2: {  	s0 =	srdreg.scid;
	s2 =	rddreg [dreg:$0x1]  }
0x3: {  	s1 =	rddreg [dreg:$0x2];
	s7 =	sand.u32 $0x1, s0  }
0x4: {  	s3 =	simm.s32 $0x0;
	s0 =	stileid.u32;
	s4 =	smul.u32 $0x2C000, s7  }
0x5: {  	s14 =	simm.s32 $0x2C00;
	s15 =	simm.s32 $0x80;
	s5 =	smul.u32 $0x2C00, s0  }
0x6: {  	s16 =	simm.s32 $0x5800;
	s17 =	simm.s32 $0x1;
	s8 =	smul.u32 $0x140000, s7  }
0x7: {  	s20 =	simm.s32 $0x0;
	[smem:$0x7FF] =	sst s3;
	s9 =	smul.u32 $0xA000, s0  }
0x8: {  	_ =	strace $0x80000047;
	s10 =	smul.u32 $0x50000, s0;
	s28 =	ssub.s32 $0x2, s7  }
0x9: {  	s30 =	smul.u32 $0x28000, s0;
	s31 =	sshll.u32 s0, $0x6;
	s7 =	sshrl.u32 s28, $0x1  }
0xa: {  	s5 =	sadd.s32 s5, s4;
	s4 =	sadd.s32 $0x1A800, s6;
	s8 =	sadd.s32 s9, s8  }
0xb: {  	s29 =	sshrl.u32 s10, $0x2;
	s12 =	ssub.s32 s28, s7;
	s10 =	sshrl.u32 s30, $0x2  }
0xc: {  	s5 =	sshrl.u32 s5, $0x3;
	s8 =	sshrl.u32 s8, $0x3;
	s13 =	sadd.s32 s29, s2  }
0xd: {  	s18 =	sadd.s32 s10, s2;
	s26 =	sadd.s32 s5, s6;
	s5 =	sadd.s32 $0x22800, s6  }
0xe: {  	s11 =	sadd.s32 s8, s6;
	s6 =	sor.u32 $0x1C02, s31;
	s19 =	sadd.s32 $0xA0000, s18  }
0xf: {  	s18 =	sshrl.u32 s18, $0x3;
	s7 =	sadd.s32 $0xF800, s26;
	s8 =	sadd.s32 $0x4800, s26  }
0x10: {  	s9 =	sadd.s32 $0x25000, s11;
	s10 =	sadd.s32 $0x39000, s11;
	s11 =	smax.u32 s12, $0x1  }
0x11: {  	s12 =	sshrl.u32 s13, $0x3;
	s13 =	simm.s32 $0x2;
	s19 =	sshrl.u32 s19, $0x3  }
.LBB2_1:
0x12: {  	[spmem:s12], [sflag:s6] =	dma.local [hbm:s5], $0x2800  }
0x13: {  	_ =	swait.ge [sflag:s13], $0x2800  }
0x14: {  	[sflag:s13] =	ssyncset.done $0x0  }
0x15: {  	[sflag:s13] =	ssyncadd.s32 $0xFFFFD800  }
0x16: {  	[tilespmem:s3], [sflag:$0x2] =	stream.linear.gather [hbm4b:s7+s3], $0x2A00, $0x38;
	[tilespmem:$0x1D800] =	vst v63  }
0x17: {  	_ =	swait.ge [sflag:s13], $0x2A00  }
0x18: {  	[sflag:s13] =	ssyncset.done $0x0  }
0x19: {  	[sflag:s13] =	ssyncadd.s32 $0xFFFFD600  }
0x1a: {  	[tilespmem:s14], [sflag:$0x2] =	stream.linear.gather [hbm4b:s8+s3], $0x2A00, $0x38;
	[tilespmem:$0x1D800] =	vst v63  }
0x1b: {  	_ =	swait.ge [sflag:s13], $0x2A00  }
0x1c: {  	[sflag:s13] =	ssyncset.done $0x0  }
0x1d: {  	[sflag:s13] =	ssyncadd.s32 $0xFFFFD600  }
0x1e: {  	s21 =	simm.s32 $0x0;
	[bflag:$0x0] =	sbarrier.arrive $0xFFFF  }
0x1f: {  	[tilespmem:s16], [sflag:$0x1] =	stream.indirect.gather [hbm4b:s4+s15], $0x80, s21, s15, $0xb8;
	[tilespmem:$0x1D800] =	vst v63  }
0x20: {  	_ =	swait.ge [sflag:s17], $0x4000  }
0x21: {  	[sflag:s17] =	ssyncset.done $0x0  }
0x22: {  	s31 =	simm.s32 $0x2C00;
	[sflag:s17] =	ssyncadd.s32 $0xFFFFC000  }
0x23: {  	[spmem:s2] =	stream.indirect.scatter.add.f32 [tilespmem:s16], [sflag:$0x2], $0x80, s31, s15, $0xb8;
	[tilespmem:$0x1D800] =	vst v63  }
0x24: {  	_ =	swait.ge [sflag:s13], $0x4000  }
0x25: {  	s22 =	simm.s32 $0x400;
	s21 =	simm.s32 $0x200;
	[sflag:s13] =	ssyncset.done $0x0  }
.LBB2_2:
0x26: {  	s23 =	sshra.s32 s21, $0x2  }
0x27: {  	[sflag:s13] =	ssyncadd.s32 $0xFFFFC000;
	s21 =	smov.u32 s22;
	s24 =	sadd.s32 $0x200, s22  }
0x28: {  	[tilespmem:s16], [sflag:$0x1] =	stream.indirect.gather [hbm4b:s4+s15], $0x80, s23, s15, $0xb8;
	[tilespmem:$0x1D800] =	vst v63  }
0x29: {  	p0 =	sne.s32 s22, $0x9E00;
	_ =	swait.ge [sflag:s17], $0x4000  }
.Ltmp0:
0x2a: {  	[sflag:s17] =	ssyncset.done $0x0;
	(pc) =	sbr.rel @p0 .LBB2_2-.Ltmp0, $4  }
0x2b: {  	s22 =	sadd.s32 $0x2C00, s23;
	[sflag:s17] =	ssyncadd.s32 $0xFFFFC000  }
0x2c: {  	[spmem:s2] =	stream.indirect.scatter.add.f32 [tilespmem:s16], [sflag:$0x2], $0x80, s22, s15, $0xb8;
	[tilespmem:$0x1D800] =	vst v63  }
0x2d: {  	_ =	swait.ge [sflag:s13], $0x4000  }
0x2e: {  	s22 =	smov.u32 s24;
	[sflag:s13] =	ssyncset.done $0x0  }
0x2f: {  	s21 =	sshra.s32 s21, $0x2;
	[sflag:s13] =	ssyncadd.s32 $0xFFFFC000  }
0x30: {  	[tilespmem:s16], [sflag:$0x1] =	stream.indirect.gather [hbm4b:s4+s15], $0x80, s21, s15, $0xb8;
	[tilespmem:$0x1D800] =	vst v63  }
0x31: {  	_ =	swait.ge [sflag:s17], $0x4000  }
0x32: {  	[sflag:s17] =	ssyncset.done $0x0  }
0x33: {  	s21 =	sadd.s32 $0x2C00, s21;
	[sflag:s17] =	ssyncadd.s32 $0xFFFFC000  }
0x34: {  	[spmem:s2] =	stream.indirect.scatter.add.f32 [tilespmem:s16], [sflag:$0x2], $0x80, s21, s15, $0xb8;
	[tilespmem:$0x1D800] =	vst v63  }
0x35: {  	_ =	swait.ge [sflag:s13], $0x4000  }
0x36: {  	[sflag:s13] =	ssyncset.done $0x0  }
0x37: {  	[sflag:s13] =	ssyncadd.s32 $0xFFFFC000  }
0x38: {  	[bflag:$0x0] =	sbarrier.arrive $0xFFFF  }
0x39: {  	[hbm:s9], [sflag:s6] =	dma.local [spmem:s18], $0x1400  }
0x3a: {  	s20 =	sadd.s32 $0x1, s20;
	_ =	swait.ge [sflag:s13], $0x1400  }
0x3b: {  	p0 =	sne.s32 s20, s11;
	[sflag:s13] =	ssyncset.done $0x0  }
.Ltmp1:
0x3c: {  	[sflag:s13] =	ssyncadd.s32 $0xFFFFEC00;
	(pc) =	sbr.rel @p0 .LBB2_1-.Ltmp1, $4  }
0x3d: {  	[hbm:s10], [sflag:s6] =	dma.local [spmem:s19], $0x1400  }
0x3e: {  	_ =	swait.ge [sflag:s13], $0x1400  }
0x3f: {  	[sflag:s13] =	ssyncset.done $0x0  }
0x40: {  	[sflag:s13] =	ssyncadd.s32 $0xFFFFEC00  }
0x41: {  	_ =	sfence.sel $0x180000  }
0x42: {  	[bflag:$0x0] =	sbarrier.arrive $0xFFFF  }
0x43: {  	p0 =	sne.s32 s0, $0x0;
	_ =	strace $0x90000047  }
0x44: {  	s0 =	sadd.s32 @!p0 $0x100000, s1;
	[bflag:$0x2] =	sbarrier.arrive $0xFFFF  }
0x45: {  	[sflag:s0] =	ssyncadd.tile.s32 @!p0 $0x1;
	_ =	shalt  }
.Lfunc_end2:
_tile_overlayer_lowered:
.L_overlay_start_2:
0x46: {  	(tag) =	ssettag $0x2  }
0x47: {  	s0 =	rddreg [dreg:$0x0];
	s2 =	stileid.u32  }
0x48: {  	s1 =	rddreg [dreg:$0x1];
	p0 =	sne.s32 s2, $0x0  }
0x49: {  	s3 =	rddreg [dreg:$0x2];
	[bflag:$0x3] =	sbarrier.arrive $0xFFFF;
	s2 =	simm.s32 @!p0 $0x1C02  }
0x4a: {  	[timem:s3], [sflag:s2] =	dma.local @!p0 [hbm:s0], s1  }
0x4b: {  	s0 =	simm.s32 @!p0 $0x2  }
0x4c: {  	_ =	swait.ge @!p0 [sflag:s0], s1  }
0x4d: {  	s1 =	ssub.s32 @!p0 $0x0, s1;
	[sflag:s0] =	ssyncset.done @!p0 $0x0  }
0x4e: {  	[sflag:s0] =	ssyncadd.s32 @!p0 s1  }
0x4f: {  	[bflag:$0x3] =	sbarrier.arrive $0xFFFF  }
0x50: {  	_ =	shalt  }

// kernel: kernel.14.cloned.1.call-start
scs
__scs_entry_jumppad:
0x0: {  	(pc) =	sbr.rel $0x88, $3  }
0x1: {  	(tag) =	ssettag $0x0;
	lr =	simm.s32 $0x1  }
0x2: {  	[smem:$0x3F82] =	sst lr;
	_ =	strace $0xD0000000  }
0x3: {  	_ = 	snop  }
0x4: {  	_ = 	snop  }
0x5: {  	_ = 	snop  }
0x6: {  	_ = 	snop  }
0x7: {  	_ = 	snop  }
__scs_overlays_trampoline_lowered:
0x8: {  	[smem:$0x3F91] =	sst s0  }
0x9: {  	[smem:$0x3F92] =	sst s1  }
0xa: {  	[smem:$0x3F93] =	sst s2  }
0xb: {  	[smem:$0x3F94] =	sst s3  }
0xc: {  	[smem:$0x3F95] =	sst s4  }
0xd: {  	[smem:$0x3F96] =	sst s5  }
0xe: {  	[smem:$0x3F97] =	sst s6  }
0xf: {  	[smem:$0x3F98] =	sst s7  }
0x10: {  	[smem:$0x3F99] =	sst s8  }
0x11: {  	[smem:$0x3F9A] =	sst s9;
	s0 =	simm.s32 @!p0 $0x0  }
0x12: {  	s1 =	sld [smem:$0x3F80];
	s0 =	simm.s32 @p0 $0x1  }
0x13: {  	[smem:$0x3F9B] =	sst s0;
	s0 =	simm.s32 @!p1 $0x0  }
0x14: {  	s2 =	sld [smem:$0x3F7F];
	s0 =	simm.s32 @p1 $0x1  }
0x15: {  	[smem:$0x3F9C] =	sst s0;
	s0 =	simm.s32 @!p2 $0x0  }
0x16: {  	s3 =	sld [smem:$0x3FDB];
	s0 =	simm.s32 @p2 $0x1  }
0x17: {  	s4 =	simm.s32 $0x1BF5;
	[smem:$0x3F9E] =	sst s0  }
0x18: {  	s0 =	sld [smem:$0x3F81];
	_ =	swait.ge [sflag:s4], $0x0  }
0x19: {  	s7 =	sld [smem:$0x3F82]  }
0x1a: {  	s8 =	sadd.s32 $0xFFFFE003, lr  }
0x1b: {  	s9 =	sadd.s32 $0xFFFFFEF7, lr;
	s5 =	simm.s32 $0xFFFFFFFF;
	p2 =	slt.u32 s8, $0xFFFFF086  }
0x1c: {  	p1 =	slt.u32 s9, $0xF7A;
	s5 =	simm.s32 @!p2 $0x0  }
0x1d: {  	s5 =	simm.s32 @p1 $0x1;
	p0 =	seq.s32 s7, s2  }
0x1e: {  	s7 =	smul.u32 @!p0 $0xF7A, s2;
	p2 =	seq.s32 @!p0 s5, $0x0  }
0x1f: {  	s9 =	smul.u32 $0xF7A, s1;
	s8 =	simm.s32 @!p0 $0x1BF5;
	p2 =	por !p2, p0  }
0x20: {  	[sflag:s8] =	ssyncset.s32 @!p0 $0xFFFFF086;
	s6 =	sadd.s32 @!p0 s3, s7;
	s7 =	simm.s32 @!p0 $0x108  }
0x21: {  	s3 =	sadd.s32 s3, s9;
	s6 =	sadd.s32 @!p0 $0x88, s6;
	s7 =	simm.s32 @p2 $0x1082  }
0x22: {  	[simem:s7], [sflag:s8] =	dma.local @!p0 [hbm:s6], $0xF7A  }
0x23: {  	s9 =	sor.u32 $0xD0000000, s2;
	s6 =	simm.s32 $0x108;
	_ =	swait.ge @!p0 [sflag:s8], $0x0  }
0x24: {  	s3 =	sadd.s32 $0x88, s3;
	s6 =	simm.s32 @!p1 $0x1082;
	[sflag:s4] =	ssyncset.s32 $0xFFFFF086  }
0x25: {  	[simem:s6], [sflag:s4] =	dma.local [hbm:s3], $0xF7A  }
0x26: {  	[smem:$0x3F82] =	sst s1;
	(tag) =	ssettag s2;
	_ =	strace s9  }
0x27: {  	s1 =	sld [smem:$0x3F92]  }
0x28: {  	s2 =	sld [smem:$0x3F93]  }
0x29: {  	s4 =	sld [smem:$0x3F95]  }
0x2a: {  	p0 =	seq.s32 s5, $0x0;
	s5 =	sld [smem:$0x3F96]  }
0x2b: {  	s6 =	sld [smem:$0x3F97]  }
0x2c: {  	s7 =	sld [smem:$0x3F98]  }
0x2d: {  	s3 =	simm.s32 $0x108;
	s8 =	sld [smem:$0x3F99]  }
0x2e: {  	s3 =	simm.s32 @!p0 $0x1082;
	s9 =	sld [smem:$0x3F9A]  }
0x2f: {  	lr =	sadd.s32 s0, s3;
	s0 =	sld [smem:$0x3F91]  }
0x30: {  	s3 =	sld [smem:$0x3F94]  }
0x31: {  	[smem:$0x3F9D] =	sst s10  }
0x32: {  	s10 =	sld [smem:$0x3F9B];
	_ =	sdelay $0x3  }
0x33: {  	p0 =	seq.s32 s10, $0x1;
	s10 =	sld [smem:$0x3F9D];
	_ =	sdelay $0x3  }
0x34: {  	[smem:$0x3F9D] =	sst s10  }
0x35: {  	s10 =	sld [smem:$0x3F9C];
	_ =	sdelay $0x3  }
0x36: {  	p1 =	seq.s32 s10, $0x1;
	s10 =	sld [smem:$0x3F9D];
	_ =	sdelay $0x3  }
0x37: {  	[smem:$0x3F9D] =	sst s10  }
0x38: {  	s10 =	sld [smem:$0x3F9E]  }
0x39: {  	_ = 	snop;
	(pc) =	sbr.ind lr, $3  }
0x3a: {  	_ = 	snop  }
0x3b: {  	_ = 	snop  }
0x3c: {  	p2 =	seq.s32 s10, $0x1;
	s10 =	sld [smem:$0x3F9D]  }
0x3d: {  	_ =	shalt  }
0x3e: {  	_ =	shalt  }
0x3f: {  	_ =	shalt  }
0x40: {  	_ =	shalt  }
0x41: {  	_ =	shalt  }
0x42: {  	_ =	shalt  }
0x43: {  	_ =	shalt  }
0x44: {  	_ =	shalt  }
0x45: {  	_ =	shalt  }
0x46: {  	_ =	shalt  }
0x47: {  	_ =	shalt  }
0x48: {  	_ =	shalt  }
0x49: {  	_ =	shalt  }
0x4a: {  	_ =	shalt  }
0x4b: {  	_ =	shalt  }
0x4c: {  	_ =	shalt  }
0x4d: {  	_ =	shalt  }
0x4e: {  	_ =	shalt  }
0x4f: {  	_ =	shalt  }
0x50: {  	_ =	shalt  }
0x51: {  	_ =	shalt  }
0x52: {  	_ =	shalt  }
0x53: {  	_ =	shalt  }
0x54: {  	_ =	shalt  }
0x55: {  	_ =	shalt  }
0x56: {  	_ =	shalt  }
0x57: {  	_ =	shalt  }
0x58: {  	_ =	shalt  }
0x59: {  	_ =	shalt  }
0x5a: {  	_ =	shalt  }
0x5b: {  	_ =	shalt  }
0x5c: {  	_ =	shalt  }
0x5d: {  	_ =	shalt  }
0x5e: {  	_ =	shalt  }
0x5f: {  	_ =	shalt  }
0x60: {  	_ =	shalt  }
0x61: {  	_ =	shalt  }
0x62: {  	_ =	shalt  }
0x63: {  	_ =	shalt  }
0x64: {  	_ =	shalt  }
0x65: {  	_ =	shalt  }
0x66: {  	_ =	shalt  }
0x67: {  	_ =	shalt  }
0x68: {  	_ =	shalt  }
0x69: {  	_ =	shalt  }
0x6a: {  	_ =	shalt  }
0x6b: {  	_ =	shalt  }
0x6c: {  	_ =	shalt  }
0x6d: {  	_ =	shalt  }
0x6e: {  	_ =	shalt  }
0x6f: {  	_ =	shalt  }
0x70: {  	_ =	shalt  }
0x71: {  	_ =	shalt  }
0x72: {  	_ =	shalt  }
0x73: {  	_ =	shalt  }
0x74: {  	_ =	shalt  }
0x75: {  	_ =	shalt  }
0x76: {  	_ =	shalt  }
0x77: {  	_ =	shalt  }
0x78: {  	_ =	shalt  }
0x79: {  	_ =	shalt  }
0x7a: {  	_ =	shalt  }
0x7b: {  	_ =	shalt  }
0x7c: {  	_ =	shalt  }
0x7d: {  	_ =	shalt  }
0x7e: {  	_ =	shalt  }
0x7f: {  	_ =	shalt  }
0x80: {  	_ =	shalt  }
0x81: {  	_ =	shalt  }
0x82: {  	_ =	shalt  }
0x83: {  	_ =	shalt  }
0x84: {  	_ =	shalt  }
0x85: {  	_ =	shalt  }
0x86: {  	_ =	shalt  }
0x87: {  	_ =	shalt  }
.Lfunc_end0:
.L_simem_size_0:
called_computation.1_lowered:
.L_overlay_start_0:
0x88: {  	s2 =	sld [smem:$0x3FD9]  }
0x89: {  	s3 =	sld [smem:$0x3FFE];
	_ =	sdelay $0x1  }
0x8a: {  	s1 =	srdreg.scid  }
0x8b: {  	s0 =	sand.u32 $0x1, s1  }
0x8c: {  	s17 =	sshll.u32 s0, $0xA;
	s2 =	sadd.s32 s3, s2  }
0x8d: {  	s2 =	sadd.s32 s2, s17  }
0x8e: {  	[smem:$0x3FA9] =	sst s2  }
0x8f: {  	_ = 	snop  }
0x90: {  	(tm) =	ssettm $0x1  }
0x91: {  	s18 =	sld [smem:$0x3FFB];
	_ =	sdelay $0x3  }
0x92: {  	_ =	strace s18  }
0x93: {  	s2 =	sld [smem:$0x3FFC];
	_ =	sdelay $0x3  }
0x94: {  	_ =	strace s2  }
0x95: {  	s2 =	sld [smem:$0x3FFD];
	_ =	sdelay $0x3  }
0x96: {  	_ =	strace s2  }
0x97: {  	_ =	strace $0x8FFFFFFF  }
0x98: {  	s19 =	sld [smem:$0x3FDB];
	_ =	sdelay $0x1  }
0x99: {  	s20 =	simm.s32 $_scs_section_size  }
0x9a: {  	s4 =	simm.s32 $_size__tile_overlayer_lowered;
	s5 =	simm.s32 $_tile_overlayer_lowered  }
0x9b: {  	s6 =	simm.s32 $0x1BFF;
	s21 =	sshll.u32 s5, $0x1;
	s3 =	sadd.s32 s20, s19  }
0x9c: {  	s22 =	simm.s32 $0x0;
	s4 =	sshll.u32 s4, $0x1;
	s5 =	sadd.s32 s21, s3  }
0x9d: {  	[timem:s22], [sflag:s6] =	dma.local [hbm:s5], s4  }
0x9e: {  	_ =	swait.ge [sflag:s6], s4  }
0x9f: {  	s4 =	ssub.s32 $0x0, s4;
	[sflag:s6] =	ssyncset.done $0x0  }
0xa0: {  	[sflag:s6] =	ssyncadd.s32 s4;
	_ =	sdelay $0x1  }
0xa1: {  	s23 =	simm.s32 $0x1B8B  }
0xa2: {  	_ =	swait.ge [sflag:s23], $0x1  }
0xa3: {  	[sflag:s23] =	ssyncset.done $0x0  }
0xa4: {  	[sflag:s23] =	ssyncadd.s32 $0xFFFFFFFF  }
0xa5: {  	s4 =	sld [smem:$0x0]  }
0xa6: {  	s5 =	sand.u32 $0xFFFFFFFE, s1  }
0xa7: {  	p0 =	sne.s32 s1, s5  }
0xa8: {  	s5 =	sshll.u32 @p0 s5, $0xE  }
0xa9: {  	s5 =	sadd.s32 @p0 $0x11B8D, s5;
	s6 =	sshll.u32 @p0 s4, $0x11  }
0xaa: {  	s5 =	sor.u32 @p0 s6, s5  }
0xab: {  	[sflag:s5] =	ssyncadd.remote.s32 @p0 $0x1;
	_ =	sdelay $0x1  }
0xac: {  	s5 =	simm.s32 @p0 $0x1B8D  }
0xad: {  	_ =	swait.eq @p0 [sflag:s5], $0x1  }
0xae: {  	[sflag:s5] =	ssyncadd.s32 @p0 $0xFFFFFFFF  }
0xaf: {  	s6 =	sshll.u32 @!p0 s1, $0xE  }
0xb0: {  	s6 =	sor.u32 @!p0 $0x4000, s6;
	s5 =	simm.s32 @!p0 $0x1B8D  }
0xb1: {  	s4 =	sshll.u32 @!p0 s4, $0x11;
	s6 =	sadd.s32 @!p0 $0x11B8D, s6;
	_ =	swait.eq @!p0 [sflag:s5], $0x1  }
0xb2: {  	s4 =	sor.u32 @!p0 s4, s6;
	[sflag:s5] =	ssyncadd.s32 @!p0 $0xFFFFFFFF  }
0xb3: {  	s25 =	simm.s32 $0x1B8E;
	s24 =	sld [smem:$0x3FFE];
	[sflag:s4] =	ssyncadd.remote.s32 @!p0 $0x1  }
0xb4: {  	s26 =	simm.s32 $execute0_lowered;
	[smem:$0x3FD2] =	sst s25  }
0xb5: {  	s5 =	sshll.u32 s26, $0x1;
	_ =	strace $0x80000049;
	[dreg:$0x1] =	wrdreg $0xFFFFFFFF  }
0xb6: {  	s28 =	simm.s32 $_size_execute0_lowered;
	s3 =	sadd.s32 s3, s5;
	[dreg:$0x0] =	wrdreg $0x0  }
0xb7: {  	s5 =	sshll.u32 s28, $0x1;
	[dreg:$0x2] =	wrdreg s3  }
0xb8: {  	[dreg:$0x3] =	wrdreg s5  }
0xb9: {  	[dreg:$0x4] =	wrdreg $0xC0  }
0xba: {  	_ =	task [dreg:s22], $0x5FFFF  }
0xbb: {  	[dreg:$0x1] =	wrdreg $0xFFFFFFFF  }
0xbc: {  	[dreg:$0x0] =	wrdreg $0x60  }
0xbd: {  	[dreg:$0x2] =	wrdreg s24  }
0xbe: {  	[dreg:$0x3] =	wrdreg $0x98000  }
0xbf: {  	[dreg:$0x4] =	wrdreg $0xA  }
0xc0: {  	_ =	task.clear_ibuf [dreg:s22], $0x5FFFF;
	_ =	strace $0x90000049  }
0xc1: {  	s29 =	simm.s32 $0xA;
	_ =	strace $0x8000004B  }
0xc2: {  	_ =	swait.ge [sflag:s29], $0x1  }
0xc3: {  	[sflag:s29] =	ssyncadd.s32 $0xFFFFFFFF  }
0xc4: {  	_ =	strace $0x9000004B  }
0xc5: {  	_ =	sfence  }
0xc6: {  	s30 =	sld [smem:$0x0];
	_ =	sdelay $0x2  }
0xc7: {  	s31 =	sshll.u32 s1, $0xD;
	s1 =	sshrl.u32 s1, $0x2  }
0xc8: {  	s4 =	sand.u32 $0x4000, s31;
	s1 =	sadd.s32 s1, s30  }
0xc9: {  	s0 =	sor.u32 s4, s0;
	s1 =	sshll.u32 s1, $0x11  }
0xca: {  	s0 =	sor.u32 s1, s0  }
0xcb: {  	s0 =	sadd.s32 $0x8F2B, s0  }
0xcc: {  	[sflag:s0] =	ssyncadd.remote.s32 $0x1  }
0xcd: {  	_ =	sfence.sel $0xFFFF  }
0xce: {  	[dreg:$0x0] =	wrdreg $0xFFFFFFFF;
	(pc) =	sbr.abs _section_cstart, $3  }
0xcf: {  	[dreg:$0x1] =	wrdreg $0xFFFFFFFF  }
0xd0: {  	_ =	task.clear_ibuf [dreg:s22], $0x2FFFF;
	_ =	strace $0x9FFFFFFF  }
0xd1: {  	(tm) =	ssettm $0x7FFFFFFF  }
tec
execute0_lowered:
.L_overlay_start_1:
0x0: {  	(tag) =	ssettag $0x1  }
0x1: {  	s6 =	rddreg [dreg:$0x0]  }
0x2: {  	s0 =	srdreg.scid;
	s2 =	rddreg [dreg:$0x1]  }
0x3: {  	s1 =	rddreg [dreg:$0x2];
	s7 =	sand.u32 $0x1, s0  }
0x4: {  	s3 =	simm.s32 $0x0;
	s0 =	stileid.u32;
	s4 =	smul.u32 $0x2C000, s7  }
0x5: {  	s14 =	simm.s32 $0x2C00;
	s15 =	simm.s32 $0x80;
	s5 =	smul.u32 $0x2C00, s0  }
0x6: {  	s16 =	simm.s32 $0x5800;
	s17 =	simm.s32 $0x1;
	s8 =	smul.u32 $0x140000, s7  }
0x7: {  	s20 =	simm.s32 $0x0;
	[smem:$0x7FF] =	sst s3;
	s9 =	smul.u32 $0xA000, s0  }
0x8: {  	_ =	strace $0x8000004A;
	s10 =	smul.u32 $0x50000, s0;
	s28 =	ssub.s32 $0x2, s7  }
0x9: {  	s30 =	smul.u32 $0x28000, s0;
	s31 =	sshll.u32 s0, $0x6;
	s7 =	sshrl.u32 s28, $0x1  }
0xa: {  	s5 =	sadd.s32 s5, s4;
	s4 =	sadd.s32 $0x80000, s6;
	s8 =	sadd.s32 s9, s8  }
0xb: {  	s29 =	sshrl.u32 s10, $0x2;
	s12 =	ssub.s32 s28, s7;
	s10 =	sshrl.u32 s30, $0x2  }
0xc: {  	s5 =	sshrl.u32 s5, $0x3;
	s8 =	sshrl.u32 s8, $0x3;
	s13 =	sadd.s32 s29, s2  }
0xd: {  	s18 =	sadd.s32 s10, s2;
	s26 =	sadd.s32 s5, s6;
	s5 =	sadd.s32 $0x22800, s6  }
0xe: {  	s11 =	sadd.s32 s8, s6;
	s6 =	sor.u32 $0x1C02, s31;
	s19 =	sadd.s32 $0xA0000, s18  }
0xf: {  	s18 =	sshrl.u32 s18, $0x3;
	s7 =	sadd.s32 $0x75000, s26;
	s8 =	sadd.s32 $0x4800, s26  }
0x10: {  	s9 =	sadd.s32 $0xAB000, s11;
	s10 =	sadd.s32 $0xBF000, s11;
	s11 =	smax.u32 s12, $0x1  }
0x11: {  	s12 =	sshrl.u32 s13, $0x3;
	s13 =	simm.s32 $0x2;
	s19 =	sshrl.u32 s19, $0x3  }
.LBB2_1:
0x12: {  	[spmem:s12], [sflag:s6] =	dma.local [hbm:s5], $0x2800  }
0x13: {  	_ =	swait.ge [sflag:s13], $0x2800  }
0x14: {  	[sflag:s13] =	ssyncset.done $0x0  }
0x15: {  	[sflag:s13] =	ssyncadd.s32 $0xFFFFD800  }
0x16: {  	[tilespmem:s3], [sflag:$0x2] =	stream.linear.gather [hbm4b:s7+s3], $0x2A00, $0x38;
	[tilespmem:$0x1D800] =	vst v63  }
0x17: {  	_ =	swait.ge [sflag:s13], $0x2A00  }
0x18: {  	[sflag:s13] =	ssyncset.done $0x0  }
0x19: {  	[sflag:s13] =	ssyncadd.s32 $0xFFFFD600  }
0x1a: {  	[tilespmem:s14], [sflag:$0x2] =	stream.linear.gather [hbm4b:s8+s3], $0x2A00, $0x38;
	[tilespmem:$0x1D800] =	vst v63  }
0x1b: {  	_ =	swait.ge [sflag:s13], $0x2A00  }
0x1c: {  	[sflag:s13] =	ssyncset.done $0x0  }
0x1d: {  	[sflag:s13] =	ssyncadd.s32 $0xFFFFD600  }
0x1e: {  	s21 =	simm.s32 $0x0;
	[bflag:$0x0] =	sbarrier.arrive $0xFFFF  }
0x1f: {  	[tilespmem:s16], [sflag:$0x1] =	stream.indirect.gather [hbm4b:s4+s15], $0x80, s21, s15, $0xb8;
	[tilespmem:$0x1D800] =	vst v63  }
0x20: {  	_ =	swait.ge [sflag:s17], $0x4000  }
0x21: {  	[sflag:s17] =	ssyncset.done $0x0  }
0x22: {  	s31 =	simm.s32 $0x2C00;
	[sflag:s17] =	ssyncadd.s32 $0xFFFFC000  }
0x23: {  	[spmem:s2] =	stream.indirect.scatter.add.f32 [tilespmem:s16], [sflag:$0x2], $0x80, s31, s15, $0xb8;
	[tilespmem:$0x1D800] =	vst v63  }
0x24: {  	_ =	swait.ge [sflag:s13], $0x4000  }
0x25: {  	s22 =	simm.s32 $0x400;
	s21 =	simm.s32 $0x200;
	[sflag:s13] =	ssyncset.done $0x0  }
.LBB2_2:
0x26: {  	s23 =	sshra.s32 s21, $0x2  }
0x27: {  	[sflag:s13] =	ssyncadd.s32 $0xFFFFC000;
	s21 =	smov.u32 s22;
	s24 =	sadd.s32 $0x200, s22  }
0x28: {  	[tilespmem:s16], [sflag:$0x1] =	stream.indirect.gather [hbm4b:s4+s15], $0x80, s23, s15, $0xb8;
	[tilespmem:$0x1D800] =	vst v63  }
0x29: {  	p0 =	sne.s32 s22, $0x9E00;
	_ =	swait.ge [sflag:s17], $0x4000  }
.Ltmp0:
0x2a: {  	[sflag:s17] =	ssyncset.done $0x0;
	(pc) =	sbr.rel @p0 .LBB2_2-.Ltmp0, $4  }
0x2b: {  	s22 =	sadd.s32 $0x2C00, s23;
	[sflag:s17] =	ssyncadd.s32 $0xFFFFC000  }
0x2c: {  	[spmem:s2] =	stream.indirect.scatter.add.f32 [tilespmem:s16], [sflag:$0x2], $0x80, s22, s15, $0xb8;
	[tilespmem:$0x1D800] =	vst v63  }
0x2d: {  	_ =	swait.ge [sflag:s13], $0x4000  }
0x2e: {  	s22 =	smov.u32 s24;
	[sflag:s13] =	ssyncset.done $0x0  }
0x2f: {  	s21 =	sshra.s32 s21, $0x2;
	[sflag:s13] =	ssyncadd.s32 $0xFFFFC000  }
0x30: {  	[tilespmem:s16], [sflag:$0x1] =	stream.indirect.gather [hbm4b:s4+s15], $0x80, s21, s15, $0xb8;
	[tilespmem:$0x1D800] =	vst v63  }
0x31: {  	_ =	swait.ge [sflag:s17], $0x4000  }
0x32: {  	[sflag:s17] =	ssyncset.done $0x0  }
0x33: {  	s21 =	sadd.s32 $0x2C00, s21;
	[sflag:s17] =	ssyncadd.s32 $0xFFFFC000  }
0x34: {  	[spmem:s2] =	stream.indirect.scatter.add.f32 [tilespmem:s16], [sflag:$0x2], $0x80, s21, s15, $0xb8;
	[tilespmem:$0x1D800] =	vst v63  }
0x35: {  	_ =	swait.ge [sflag:s13], $0x4000  }
0x36: {  	[sflag:s13] =	ssyncset.done $0x0  }
0x37: {  	[sflag:s13] =	ssyncadd.s32 $0xFFFFC000  }
0x38: {  	[bflag:$0x0] =	sbarrier.arrive $0xFFFF  }
0x39: {  	[hbm:s9], [sflag:s6] =	dma.local [spmem:s18], $0x1400  }
0x3a: {  	s20 =	sadd.s32 $0x1, s20;
	_ =	swait.ge [sflag:s13], $0x1400  }
0x3b: {  	p0 =	sne.s32 s20, s11;
	[sflag:s13] =	ssyncset.done $0x0  }
.Ltmp1:
0x3c: {  	[sflag:s13] =	ssyncadd.s32 $0xFFFFEC00;
	(pc) =	sbr.rel @p0 .LBB2_1-.Ltmp1, $4  }
0x3d: {  	[hbm:s10], [sflag:s6] =	dma.local [spmem:s19], $0x1400  }
0x3e: {  	_ =	swait.ge [sflag:s13], $0x1400  }
0x3f: {  	[sflag:s13] =	ssyncset.done $0x0  }
0x40: {  	[sflag:s13] =	ssyncadd.s32 $0xFFFFEC00  }
0x41: {  	_ =	sfence.sel $0x180000  }
0x42: {  	[bflag:$0x0] =	sbarrier.arrive $0xFFFF  }
0x43: {  	p0 =	sne.s32 s0, $0x0;
	_ =	strace $0x9000004A  }
0x44: {  	s0 =	sadd.s32 @!p0 $0x100000, s1;
	[bflag:$0x2] =	sbarrier.arrive $0xFFFF  }
0x45: {  	[sflag:s0] =	ssyncadd.tile.s32 @!p0 $0x1;
	_ =	shalt  }
.Lfunc_end2:
_tile_overlayer_lowered:
.L_overlay_start_2:
0x46: {  	(tag) =	ssettag $0x2  }
0x47: {  	s0 =	rddreg [dreg:$0x0];
	s2 =	stileid.u32  }
0x48: {  	s1 =	rddreg [dreg:$0x1];
	p0 =	sne.s32 s2, $0x0  }
0x49: {  	s3 =	rddreg [dreg:$0x2];
	[bflag:$0x3] =	sbarrier.arrive $0xFFFF;
	s2 =	simm.s32 @!p0 $0x1C02  }
0x4a: {  	[timem:s3], [sflag:s2] =	dma.local @!p0 [hbm:s0], s1  }
0x4b: {  	s0 =	simm.s32 @!p0 $0x2  }
0x4c: {  	_ =	swait.ge @!p0 [sflag:s0], s1  }
0x4d: {  	s1 =	ssub.s32 @!p0 $0x0, s1;
	[sflag:s0] =	ssyncset.done @!p0 $0x0  }
0x4e: {  	[sflag:s0] =	ssyncadd.s32 @!p0 s1  }
0x4f: {  	[bflag:$0x3] =	sbarrier.arrive $0xFFFF  }
0x50: {  	_ =	shalt  }

// kernel: kernel.17.cloned.1.call-start
scs
__scs_entry_jumppad:
0x0: {  	(pc) =	sbr.rel $0x88, $3  }
0x1: {  	(tag) =	ssettag $0x0;
	lr =	simm.s32 $0x1  }
0x2: {  	[smem:$0x3F82] =	sst lr;
	_ =	strace $0xD0000000  }
0x3: {  	_ = 	snop  }
0x4: {  	_ = 	snop  }
0x5: {  	_ = 	snop  }
0x6: {  	_ = 	snop  }
0x7: {  	_ = 	snop  }
__scs_overlays_trampoline_lowered:
0x8: {  	[smem:$0x3F91] =	sst s0  }
0x9: {  	[smem:$0x3F92] =	sst s1  }
0xa: {  	[smem:$0x3F93] =	sst s2  }
0xb: {  	[smem:$0x3F94] =	sst s3  }
0xc: {  	[smem:$0x3F95] =	sst s4  }
0xd: {  	[smem:$0x3F96] =	sst s5  }
0xe: {  	[smem:$0x3F97] =	sst s6  }
0xf: {  	[smem:$0x3F98] =	sst s7  }
0x10: {  	[smem:$0x3F99] =	sst s8  }
0x11: {  	[smem:$0x3F9A] =	sst s9;
	s0 =	simm.s32 @!p0 $0x0  }
0x12: {  	s1 =	sld [smem:$0x3F80];
	s0 =	simm.s32 @p0 $0x1  }
0x13: {  	[smem:$0x3F9B] =	sst s0;
	s0 =	simm.s32 @!p1 $0x0  }
0x14: {  	s2 =	sld [smem:$0x3F7F];
	s0 =	simm.s32 @p1 $0x1  }
0x15: {  	[smem:$0x3F9C] =	sst s0;
	s0 =	simm.s32 @!p2 $0x0  }
0x16: {  	s3 =	sld [smem:$0x3FDB];
	s0 =	simm.s32 @p2 $0x1  }
0x17: {  	s4 =	simm.s32 $0x1BF5;
	[smem:$0x3F9E] =	sst s0  }
0x18: {  	s0 =	sld [smem:$0x3F81];
	_ =	swait.ge [sflag:s4], $0x0  }
0x19: {  	s7 =	sld [smem:$0x3F82]  }
0x1a: {  	s8 =	sadd.s32 $0xFFFFE003, lr  }
0x1b: {  	s9 =	sadd.s32 $0xFFFFFEF7, lr;
	s5 =	simm.s32 $0xFFFFFFFF;
	p2 =	slt.u32 s8, $0xFFFFF086  }
0x1c: {  	p1 =	slt.u32 s9, $0xF7A;
	s5 =	simm.s32 @!p2 $0x0  }
0x1d: {  	s5 =	simm.s32 @p1 $0x1;
	p0 =	seq.s32 s7, s2  }
0x1e: {  	s7 =	smul.u32 @!p0 $0xF7A, s2;
	p2 =	seq.s32 @!p0 s5, $0x0  }
0x1f: {  	s9 =	smul.u32 $0xF7A, s1;
	s8 =	simm.s32 @!p0 $0x1BF5;
	p2 =	por !p2, p0  }
0x20: {  	[sflag:s8] =	ssyncset.s32 @!p0 $0xFFFFF086;
	s6 =	sadd.s32 @!p0 s3, s7;
	s7 =	simm.s32 @!p0 $0x108  }
0x21: {  	s3 =	sadd.s32 s3, s9;
	s6 =	sadd.s32 @!p0 $0x88, s6;
	s7 =	simm.s32 @p2 $0x1082  }
0x22: {  	[simem:s7], [sflag:s8] =	dma.local @!p0 [hbm:s6], $0xF7A  }
0x23: {  	s9 =	sor.u32 $0xD0000000, s2;
	s6 =	simm.s32 $0x108;
	_ =	swait.ge @!p0 [sflag:s8], $0x0  }
0x24: {  	s3 =	sadd.s32 $0x88, s3;
	s6 =	simm.s32 @!p1 $0x1082;
	[sflag:s4] =	ssyncset.s32 $0xFFFFF086  }
0x25: {  	[simem:s6], [sflag:s4] =	dma.local [hbm:s3], $0xF7A  }
0x26: {  	[smem:$0x3F82] =	sst s1;
	(tag) =	ssettag s2;
	_ =	strace s9  }
0x27: {  	s1 =	sld [smem:$0x3F92]  }
0x28: {  	s2 =	sld [smem:$0x3F93]  }
0x29: {  	s4 =	sld [smem:$0x3F95]  }
0x2a: {  	p0 =	seq.s32 s5, $0x0;
	s5 =	sld [smem:$0x3F96]  }
0x2b: {  	s6 =	sld [smem:$0x3F97]  }
0x2c: {  	s7 =	sld [smem:$0x3F98]  }
0x2d: {  	s3 =	simm.s32 $0x108;
	s8 =	sld [smem:$0x3F99]  }
0x2e: {  	s3 =	simm.s32 @!p0 $0x1082;
	s9 =	sld [smem:$0x3F9A]  }
0x2f: {  	lr =	sadd.s32 s0, s3;
	s0 =	sld [smem:$0x3F91]  }
0x30: {  	s3 =	sld [smem:$0x3F94]  }
0x31: {  	[smem:$0x3F9D] =	sst s10  }
0x32: {  	s10 =	sld [smem:$0x3F9B];
	_ =	sdelay $0x3  }
0x33: {  	p0 =	seq.s32 s10, $0x1;
	s10 =	sld [smem:$0x3F9D];
	_ =	sdelay $0x3  }
0x34: {  	[smem:$0x3F9D] =	sst s10  }
0x35: {  	s10 =	sld [smem:$0x3F9C];
	_ =	sdelay $0x3  }
0x36: {  	p1 =	seq.s32 s10, $0x1;
	s10 =	sld [smem:$0x3F9D];
	_ =	sdelay $0x3  }
0x37: {  	[smem:$0x3F9D] =	sst s10  }
0x38: {  	s10 =	sld [smem:$0x3F9E]  }
0x39: {  	_ = 	snop;
	(pc) =	sbr.ind lr, $3  }
0x3a: {  	_ = 	snop  }
0x3b: {  	_ = 	snop  }
0x3c: {  	p2 =	seq.s32 s10, $0x1;
	s10 =	sld [smem:$0x3F9D]  }
0x3d: {  	_ =	shalt  }
0x3e: {  	_ =	shalt  }
0x3f: {  	_ =	shalt  }
0x40: {  	_ =	shalt  }
0x41: {  	_ =	shalt  }
0x42: {  	_ =	shalt  }
0x43: {  	_ =	shalt  }
0x44: {  	_ =	shalt  }
0x45: {  	_ =	shalt  }
0x46: {  	_ =	shalt  }
0x47: {  	_ =	shalt  }
0x48: {  	_ =	shalt  }
0x49: {  	_ =	shalt  }
0x4a: {  	_ =	shalt  }
0x4b: {  	_ =	shalt  }
0x4c: {  	_ =	shalt  }
0x4d: {  	_ =	shalt  }
0x4e: {  	_ =	shalt  }
0x4f: {  	_ =	shalt  }
0x50: {  	_ =	shalt  }
0x51: {  	_ =	shalt  }
0x52: {  	_ =	shalt  }
0x53: {  	_ =	shalt  }
0x54: {  	_ =	shalt  }
0x55: {  	_ =	shalt  }
0x56: {  	_ =	shalt  }
0x57: {  	_ =	shalt  }
0x58: {  	_ =	shalt  }
0x59: {  	_ =	shalt  }
0x5a: {  	_ =	shalt  }
0x5b: {  	_ =	shalt  }
0x5c: {  	_ =	shalt  }
0x5d: {  	_ =	shalt  }
0x5e: {  	_ =	shalt  }
0x5f: {  	_ =	shalt  }
0x60: {  	_ =	shalt  }
0x61: {  	_ =	shalt  }
0x62: {  	_ =	shalt  }
0x63: {  	_ =	shalt  }
0x64: {  	_ =	shalt  }
0x65: {  	_ =	shalt  }
0x66: {  	_ =	shalt  }
0x67: {  	_ =	shalt  }
0x68: {  	_ =	shalt  }
0x69: {  	_ =	shalt  }
0x6a: {  	_ =	shalt  }
0x6b: {  	_ =	shalt  }
0x6c: {  	_ =	shalt  }
0x6d: {  	_ =	shalt  }
0x6e: {  	_ =	shalt  }
0x6f: {  	_ =	shalt  }
0x70: {  	_ =	shalt  }
0x71: {  	_ =	shalt  }
0x72: {  	_ =	shalt  }
0x73: {  	_ =	shalt  }
0x74: {  	_ =	shalt  }
0x75: {  	_ =	shalt  }
0x76: {  	_ =	shalt  }
0x77: {  	_ =	shalt  }
0x78: {  	_ =	shalt  }
0x79: {  	_ =	shalt  }
0x7a: {  	_ =	shalt  }
0x7b: {  	_ =	shalt  }
0x7c: {  	_ =	shalt  }
0x7d: {  	_ =	shalt  }
0x7e: {  	_ =	shalt  }
0x7f: {  	_ =	shalt  }
0x80: {  	_ =	shalt  }
0x81: {  	_ =	shalt  }
0x82: {  	_ =	shalt  }
0x83: {  	_ =	shalt  }
0x84: {  	_ =	shalt  }
0x85: {  	_ =	shalt  }
0x86: {  	_ =	shalt  }
0x87: {  	_ =	shalt  }
.Lfunc_end0:
.L_simem_size_0:
called_computation.2_lowered:
.L_overlay_start_0:
0x88: {  	s2 =	sld [smem:$0x3FD9]  }
0x89: {  	s3 =	sld [smem:$0x3FFE];
	_ =	sdelay $0x1  }
0x8a: {  	s1 =	srdreg.scid  }
0x8b: {  	s0 =	sand.u32 $0x1, s1  }
0x8c: {  	s16 =	sshll.u32 s0, $0xA;
	s2 =	sadd.s32 s3, s2  }
0x8d: {  	s2 =	sadd.s32 s2, s16  }
0x8e: {  	[smem:$0x3FA9] =	sst s2  }
0x8f: {  	_ = 	snop  }
0x90: {  	(tm) =	ssettm $0x1  }
0x91: {  	s17 =	sld [smem:$0x3FFB];
	_ =	sdelay $0x3  }
0x92: {  	_ =	strace s17  }
0x93: {  	s2 =	sld [smem:$0x3FFC];
	_ =	sdelay $0x3  }
0x94: {  	_ =	strace s2  }
0x95: {  	s2 =	sld [smem:$0x3FFD];
	_ =	sdelay $0x3  }
0x96: {  	_ =	strace s2  }
0x97: {  	_ =	strace $0x8FFFFFFF  }
0x98: {  	s18 =	sld [smem:$0x3FDB];
	_ =	sdelay $0x1  }
0x99: {  	s19 =	simm.s32 $_scs_section_size  }
0x9a: {  	s4 =	simm.s32 $_size__tile_overlayer_lowered;
	s5 =	simm.s32 $_tile_overlayer_lowered  }
0x9b: {  	s22 =	simm.s32 $0x1BFF;
	s21 =	sshll.u32 s5, $0x1;
	s2 =	sadd.s32 s19, s18  }
0x9c: {  	s6 =	simm.s32 $0x0;
	s20 =	sshll.u32 s4, $0x1;
	s4 =	sadd.s32 s21, s2  }
0x9d: {  	[timem:s6], [sflag:s22] =	dma.local [hbm:s4], s20  }
0x9e: {  	_ =	swait.ge [sflag:s22], s20  }
0x9f: {  	s3 =	ssub.s32 $0x0, s20;
	[sflag:s22] =	ssyncset.done $0x0  }
0xa0: {  	[sflag:s22] =	ssyncadd.s32 s3;
	_ =	sdelay $0x1  }
0xa1: {  	s23 =	simm.s32 $0x1B8B  }
0xa2: {  	_ =	swait.ge [sflag:s23], $0x1  }
0xa3: {  	[sflag:s23] =	ssyncset.done $0x0  }
0xa4: {  	s25 =	simm.s32 $0x1B8E;
	s24 =	sld [smem:$0x3FFE];
	[sflag:s23] =	ssyncadd.s32 $0xFFFFFFFF  }
0xa5: {  	s26 =	simm.s32 $execute0_lowered;
	[smem:$0x3FD2] =	sst s25  }
0xa6: {  	s4 =	sshll.u32 s26, $0x1;
	_ =	strace $0x8000004C;
	[dreg:$0x1] =	wrdreg $0xFFFFFFFF  }
0xa7: {  	s28 =	simm.s32 $_size_execute0_lowered;
	s2 =	sadd.s32 s2, s4;
	[dreg:$0x0] =	wrdreg $0x0  }
0xa8: {  	s4 =	sshll.u32 s28, $0x1;
	[dreg:$0x2] =	wrdreg s2  }
0xa9: {  	[dreg:$0x3] =	wrdreg s4  }
0xaa: {  	[dreg:$0x4] =	wrdreg $0xC0  }
0xab: {  	_ =	task [dreg:s6], $0x5FFFF  }
0xac: {  	[dreg:$0x1] =	wrdreg $0xFFFFFFFF  }
0xad: {  	[dreg:$0x0] =	wrdreg $0x60  }
0xae: {  	[dreg:$0x2] =	wrdreg s24  }
0xaf: {  	[dreg:$0x3] =	wrdreg $0x98000  }
0xb0: {  	[dreg:$0x4] =	wrdreg $0x9  }
0xb1: {  	_ =	task.clear_ibuf [dreg:s6], $0x5FFFF;
	_ =	strace $0x9000004C  }
0xb2: {  	s29 =	simm.s32 $0x9;
	_ =	strace $0x8000004E  }
0xb3: {  	_ =	swait.ge [sflag:s29], $0x1  }
0xb4: {  	[sflag:s29] =	ssyncadd.s32 $0xFFFFFFFF  }
0xb5: {  	_ =	strace $0x9000004E  }
0xb6: {  	_ =	sfence  }
0xb7: {  	s30 =	sld [smem:$0x0];
	_ =	sdelay $0x2  }
0xb8: {  	s31 =	sshll.u32 s1, $0xD;
	s1 =	sshrl.u32 s1, $0x2  }
0xb9: {  	s3 =	sand.u32 $0x4000, s31;
	s1 =	sadd.s32 s1, s30  }
0xba: {  	s0 =	sor.u32 s3, s0;
	s1 =	sshll.u32 s1, $0x11  }
0xbb: {  	s0 =	sor.u32 s1, s0  }
0xbc: {  	s0 =	sadd.s32 $0x8F2B, s0  }
0xbd: {  	[sflag:s0] =	ssyncadd.remote.s32 $0x1  }
0xbe: {  	_ =	sfence.sel $0xFFFF  }
0xbf: {  	[dreg:$0x0] =	wrdreg $0xFFFFFFFF;
	(pc) =	sbr.abs _section_cstart, $3  }
0xc0: {  	[dreg:$0x1] =	wrdreg $0xFFFFFFFF  }
0xc1: {  	_ =	task.clear_ibuf [dreg:s6], $0x2FFFF;
	_ =	strace $0x9FFFFFFF  }
0xc2: {  	(tm) =	ssettm $0x7FFFFFFF  }
0xc3: {  	_ =	shalt  }
tec
execute0_lowered:
.L_overlay_start_1:
0x0: {  	(tag) =	ssettag $0x1  }
0x1: {  	s6 =	rddreg [dreg:$0x0]  }
0x2: {  	s0 =	srdreg.scid;
	s2 =	rddreg [dreg:$0x1]  }
0x3: {  	s1 =	rddreg [dreg:$0x2];
	s7 =	sand.u32 $0x1, s0  }
0x4: {  	s3 =	simm.s32 $0x0;
	s0 =	stileid.u32;
	s4 =	smul.u32 $0x2C000, s7  }
0x5: {  	s14 =	simm.s32 $0x2C00;
	s15 =	simm.s32 $0x80;
	s5 =	smul.u32 $0x2C00, s0  }
0x6: {  	s16 =	simm.s32 $0x5800;
	s17 =	simm.s32 $0x1;
	s8 =	smul.u32 $0x140000, s7  }
0x7: {  	s20 =	simm.s32 $0x0;
	[smem:$0x7FF] =	sst s3;
	s9 =	smul.u32 $0xA000, s0  }
0x8: {  	_ =	strace $0x8000004D;
	s10 =	smul.u32 $0x50000, s0;
	s28 =	ssub.s32 $0x2, s7  }
0x9: {  	s30 =	smul.u32 $0x28000, s0;
	s31 =	sshll.u32 s0, $0x6;
	s7 =	sshrl.u32 s28, $0x1  }
0xa: {  	s5 =	sadd.s32 s5, s4;
	s4 =	sadd.s32 $0x80000, s6;
	s8 =	sadd.s32 s9, s8  }
0xb: {  	s29 =	sshrl.u32 s10, $0x2;
	s12 =	ssub.s32 s28, s7;
	s10 =	sshrl.u32 s30, $0x2  }
0xc: {  	s5 =	sshrl.u32 s5, $0x3;
	s8 =	sshrl.u32 s8, $0x3;
	s13 =	sadd.s32 s29, s2  }
0xd: {  	s18 =	sadd.s32 s10, s2;
	s26 =	sadd.s32 s5, s6;
	s5 =	sadd.s32 $0x22800, s6  }
0xe: {  	s11 =	sadd.s32 s8, s6;
	s6 =	sor.u32 $0x1C02, s31;
	s19 =	sadd.s32 $0xA0000, s18  }
0xf: {  	s18 =	sshrl.u32 s18, $0x3;
	s7 =	sadd.s32 $0x75000, s26;
	s8 =	sadd.s32 $0x4800, s26  }
0x10: {  	s9 =	sadd.s32 $0xAB000, s11;
	s10 =	sadd.s32 $0xBF000, s11;
	s11 =	smax.u32 s12, $0x1  }
0x11: {  	s12 =	sshrl.u32 s13, $0x3;
	s13 =	simm.s32 $0x2;
	s19 =	sshrl.u32 s19, $0x3  }
.LBB2_1:
0x12: {  	[spmem:s12], [sflag:s6] =	dma.local [hbm:s5], $0x2800  }
0x13: {  	_ =	swait.ge [sflag:s13], $0x2800  }
0x14: {  	[sflag:s13] =	ssyncset.done $0x0  }
0x15: {  	[sflag:s13] =	ssyncadd.s32 $0xFFFFD800  }
0x16: {  	[tilespmem:s3], [sflag:$0x2] =	stream.linear.gather [hbm4b:s7+s3], $0x2A00, $0x38;
	[tilespmem:$0x1D800] =	vst v63  }
0x17: {  	_ =	swait.ge [sflag:s13], $0x2A00  }
0x18: {  	[sflag:s13] =	ssyncset.done $0x0  }
0x19: {  	[sflag:s13] =	ssyncadd.s32 $0xFFFFD600  }
0x1a: {  	[tilespmem:s14], [sflag:$0x2] =	stream.linear.gather [hbm4b:s8+s3], $0x2A00, $0x38;
	[tilespmem:$0x1D800] =	vst v63  }
0x1b: {  	_ =	swait.ge [sflag:s13], $0x2A00  }
0x1c: {  	[sflag:s13] =	ssyncset.done $0x0  }
0x1d: {  	[sflag:s13] =	ssyncadd.s32 $0xFFFFD600  }
0x1e: {  	s21 =	simm.s32 $0x0;
	[bflag:$0x0] =	sbarrier.arrive $0xFFFF  }
0x1f: {  	[tilespmem:s16], [sflag:$0x1] =	stream.indirect.gather [hbm4b:s4+s15], $0x80, s21, s15, $0xb8;
	[tilespmem:$0x1D800] =	vst v63  }
0x20: {  	_ =	swait.ge [sflag:s17], $0x4000  }
0x21: {  	[sflag:s17] =	ssyncset.done $0x0  }
0x22: {  	s31 =	simm.s32 $0x2C00;
	[sflag:s17] =	ssyncadd.s32 $0xFFFFC000  }
0x23: {  	[spmem:s2] =	stream.indirect.scatter.add.f32 [tilespmem:s16], [sflag:$0x2], $0x80, s31, s15, $0xb8;
	[tilespmem:$0x1D800] =	vst v63  }
0x24: {  	_ =	swait.ge [sflag:s13], $0x4000  }
0x25: {  	s22 =	simm.s32 $0x400;
	s21 =	simm.s32 $0x200;
	[sflag:s13] =	ssyncset.done $0x0  }
.LBB2_2:
0x26: {  	s23 =	sshra.s32 s21, $0x2  }
0x27: {  	[sflag:s13] =	ssyncadd.s32 $0xFFFFC000;
	s21 =	smov.u32 s22;
	s24 =	sadd.s32 $0x200, s22  }
0x28: {  	[tilespmem:s16], [sflag:$0x1] =	stream.indirect.gather [hbm4b:s4+s15], $0x80, s23, s15, $0xb8;
	[tilespmem:$0x1D800] =	vst v63  }
0x29: {  	p0 =	sne.s32 s22, $0x9E00;
	_ =	swait.ge [sflag:s17], $0x4000  }
.Ltmp0:
0x2a: {  	[sflag:s17] =	ssyncset.done $0x0;
	(pc) =	sbr.rel @p0 .LBB2_2-.Ltmp0, $4  }
0x2b: {  	s22 =	sadd.s32 $0x2C00, s23;
	[sflag:s17] =	ssyncadd.s32 $0xFFFFC000  }
0x2c: {  	[spmem:s2] =	stream.indirect.scatter.add.f32 [tilespmem:s16], [sflag:$0x2], $0x80, s22, s15, $0xb8;
	[tilespmem:$0x1D800] =	vst v63  }
0x2d: {  	_ =	swait.ge [sflag:s13], $0x4000  }
0x2e: {  	s22 =	smov.u32 s24;
	[sflag:s13] =	ssyncset.done $0x0  }
0x2f: {  	s21 =	sshra.s32 s21, $0x2;
	[sflag:s13] =	ssyncadd.s32 $0xFFFFC000  }
0x30: {  	[tilespmem:s16], [sflag:$0x1] =	stream.indirect.gather [hbm4b:s4+s15], $0x80, s21, s15, $0xb8;
	[tilespmem:$0x1D800] =	vst v63  }
0x31: {  	_ =	swait.ge [sflag:s17], $0x4000  }
0x32: {  	[sflag:s17] =	ssyncset.done $0x0  }
0x33: {  	s21 =	sadd.s32 $0x2C00, s21;
	[sflag:s17] =	ssyncadd.s32 $0xFFFFC000  }
0x34: {  	[spmem:s2] =	stream.indirect.scatter.add.f32 [tilespmem:s16], [sflag:$0x2], $0x80, s21, s15, $0xb8;
	[tilespmem:$0x1D800] =	vst v63  }
0x35: {  	_ =	swait.ge [sflag:s13], $0x4000  }
0x36: {  	[sflag:s13] =	ssyncset.done $0x0  }
0x37: {  	[sflag:s13] =	ssyncadd.s32 $0xFFFFC000  }
0x38: {  	[bflag:$0x0] =	sbarrier.arrive $0xFFFF  }
0x39: {  	[hbm:s9], [sflag:s6] =	dma.local [spmem:s18], $0x1400  }
0x3a: {  	s20 =	sadd.s32 $0x1, s20;
	_ =	swait.ge [sflag:s13], $0x1400  }
0x3b: {  	p0 =	sne.s32 s20, s11;
	[sflag:s13] =	ssyncset.done $0x0  }
.Ltmp1:
0x3c: {  	[sflag:s13] =	ssyncadd.s32 $0xFFFFEC00;
	(pc) =	sbr.rel @p0 .LBB2_1-.Ltmp1, $4  }
0x3d: {  	[hbm:s10], [sflag:s6] =	dma.local [spmem:s19], $0x1400  }
0x3e: {  	_ =	swait.ge [sflag:s13], $0x1400  }
0x3f: {  	[sflag:s13] =	ssyncset.done $0x0  }
0x40: {  	[sflag:s13] =	ssyncadd.s32 $0xFFFFEC00  }
0x41: {  	_ =	sfence.sel $0x180000  }
0x42: {  	[bflag:$0x0] =	sbarrier.arrive $0xFFFF  }
0x43: {  	p0 =	sne.s32 s0, $0x0;
	_ =	strace $0x9000004D  }
0x44: {  	s0 =	sadd.s32 @!p0 $0x100000, s1;
	[bflag:$0x2] =	sbarrier.arrive $0xFFFF  }
0x45: {  	[sflag:s0] =	ssyncadd.tile.s32 @!p0 $0x1;
	_ =	shalt  }
.Lfunc_end2:
_tile_overlayer_lowered:
.L_overlay_start_2:
0x46: {  	(tag) =	ssettag $0x2  }
0x47: {  	s0 =	rddreg [dreg:$0x0];
	s2 =	stileid.u32  }
0x48: {  	s1 =	rddreg [dreg:$0x1];
	p0 =	sne.s32 s2, $0x0  }
0x49: {  	s3 =	rddreg [dreg:$0x2];
	[bflag:$0x3] =	sbarrier.arrive $0xFFFF;
	s2 =	simm.s32 @!p0 $0x1C02  }
0x4a: {  	[timem:s3], [sflag:s2] =	dma.local @!p0 [hbm:s0], s1  }
0x4b: {  	s0 =	simm.s32 @!p0 $0x2  }
0x4c: {  	_ =	swait.ge @!p0 [sflag:s0], s1  }
0x4d: {  	s1 =	ssub.s32 @!p0 $0x0, s1;
	[sflag:s0] =	ssyncset.done @!p0 $0x0  }
0x4e: {  	[sflag:s0] =	ssyncadd.s32 @!p0 s1  }
0x4f: {  	[bflag:$0x3] =	sbarrier.arrive $0xFFFF  }
0x50: {  	_ =	shalt  }

// kernel: kernel.20.cloned.1.call-start
scs
__scs_entry_jumppad:
0x0: {  	(pc) =	sbr.rel $0x88, $3  }
0x1: {  	(tag) =	ssettag $0x0;
	lr =	simm.s32 $0x1  }
0x2: {  	[smem:$0x3F82] =	sst lr;
	_ =	strace $0xD0000000  }
0x3: {  	_ = 	snop  }
0x4: {  	_ = 	snop  }
0x5: {  	_ = 	snop  }
0x6: {  	_ = 	snop  }
0x7: {  	_ = 	snop  }
__scs_overlays_trampoline_lowered:
0x8: {  	[smem:$0x3F91] =	sst s0  }
0x9: {  	[smem:$0x3F92] =	sst s1  }
0xa: {  	[smem:$0x3F93] =	sst s2  }
0xb: {  	[smem:$0x3F94] =	sst s3  }
0xc: {  	[smem:$0x3F95] =	sst s4  }
0xd: {  	[smem:$0x3F96] =	sst s5  }
0xe: {  	[smem:$0x3F97] =	sst s6  }
0xf: {  	[smem:$0x3F98] =	sst s7  }
0x10: {  	[smem:$0x3F99] =	sst s8  }
0x11: {  	[smem:$0x3F9A] =	sst s9;
	s0 =	simm.s32 @!p0 $0x0  }
0x12: {  	s1 =	sld [smem:$0x3F80];
	s0 =	simm.s32 @p0 $0x1  }
0x13: {  	[smem:$0x3F9B] =	sst s0;
	s0 =	simm.s32 @!p1 $0x0  }
0x14: {  	s2 =	sld [smem:$0x3F7F];
	s0 =	simm.s32 @p1 $0x1  }
0x15: {  	[smem:$0x3F9C] =	sst s0;
	s0 =	simm.s32 @!p2 $0x0  }
0x16: {  	s3 =	sld [smem:$0x3FDB];
	s0 =	simm.s32 @p2 $0x1  }
0x17: {  	s4 =	simm.s32 $0x1BF5;
	[smem:$0x3F9E] =	sst s0  }
0x18: {  	s0 =	sld [smem:$0x3F81];
	_ =	swait.ge [sflag:s4], $0x0  }
0x19: {  	s7 =	sld [smem:$0x3F82]  }
0x1a: {  	s8 =	sadd.s32 $0xFFFFE003, lr  }
0x1b: {  	s9 =	sadd.s32 $0xFFFFFEF7, lr;
	s5 =	simm.s32 $0xFFFFFFFF;
	p2 =	slt.u32 s8, $0xFFFFF086  }
0x1c: {  	p1 =	slt.u32 s9, $0xF7A;
	s5 =	simm.s32 @!p2 $0x0  }
0x1d: {  	s5 =	simm.s32 @p1 $0x1;
	p0 =	seq.s32 s7, s2  }
0x1e: {  	s7 =	smul.u32 @!p0 $0xF7A, s2;
	p2 =	seq.s32 @!p0 s5, $0x0  }
0x1f: {  	s9 =	smul.u32 $0xF7A, s1;
	s8 =	simm.s32 @!p0 $0x1BF5;
	p2 =	por !p2, p0  }
0x20: {  	[sflag:s8] =	ssyncset.s32 @!p0 $0xFFFFF086;
	s6 =	sadd.s32 @!p0 s3, s7;
	s7 =	simm.s32 @!p0 $0x108  }
0x21: {  	s3 =	sadd.s32 s3, s9;
	s6 =	sadd.s32 @!p0 $0x88, s6;
	s7 =	simm.s32 @p2 $0x1082  }
0x22: {  	[simem:s7], [sflag:s8] =	dma.local @!p0 [hbm:s6], $0xF7A  }
0x23: {  	s9 =	sor.u32 $0xD0000000, s2;
	s6 =	simm.s32 $0x108;
	_ =	swait.ge @!p0 [sflag:s8], $0x0  }
0x24: {  	s3 =	sadd.s32 $0x88, s3;
	s6 =	simm.s32 @!p1 $0x1082;
	[sflag:s4] =	ssyncset.s32 $0xFFFFF086  }
0x25: {  	[simem:s6], [sflag:s4] =	dma.local [hbm:s3], $0xF7A  }
0x26: {  	[smem:$0x3F82] =	sst s1;
	(tag) =	ssettag s2;
	_ =	strace s9  }
0x27: {  	s1 =	sld [smem:$0x3F92]  }
0x28: {  	s2 =	sld [smem:$0x3F93]  }
0x29: {  	s4 =	sld [smem:$0x3F95]  }
0x2a: {  	p0 =	seq.s32 s5, $0x0;
	s5 =	sld [smem:$0x3F96]  }
0x2b: {  	s6 =	sld [smem:$0x3F97]  }
0x2c: {  	s7 =	sld [smem:$0x3F98]  }
0x2d: {  	s3 =	simm.s32 $0x108;
	s8 =	sld [smem:$0x3F99]  }
0x2e: {  	s3 =	simm.s32 @!p0 $0x1082;
	s9 =	sld [smem:$0x3F9A]  }
0x2f: {  	lr =	sadd.s32 s0, s3;
	s0 =	sld [smem:$0x3F91]  }
0x30: {  	s3 =	sld [smem:$0x3F94]  }
0x31: {  	[smem:$0x3F9D] =	sst s10  }
0x32: {  	s10 =	sld [smem:$0x3F9B];
	_ =	sdelay $0x3  }
0x33: {  	p0 =	seq.s32 s10, $0x1;
	s10 =	sld [smem:$0x3F9D];
	_ =	sdelay $0x3  }
0x34: {  	[smem:$0x3F9D] =	sst s10  }
0x35: {  	s10 =	sld [smem:$0x3F9C];
	_ =	sdelay $0x3  }
0x36: {  	p1 =	seq.s32 s10, $0x1;
	s10 =	sld [smem:$0x3F9D];
	_ =	sdelay $0x3  }
0x37: {  	[smem:$0x3F9D] =	sst s10  }
0x38: {  	s10 =	sld [smem:$0x3F9E]  }
0x39: {  	_ = 	snop;
	(pc) =	sbr.ind lr, $3  }
0x3a: {  	_ = 	snop  }
0x3b: {  	_ = 	snop  }
0x3c: {  	p2 =	seq.s32 s10, $0x1;
	s10 =	sld [smem:$0x3F9D]  }
0x3d: {  	_ =	shalt  }
0x3e: {  	_ =	shalt  }
0x3f: {  	_ =	shalt  }
0x40: {  	_ =	shalt  }
0x41: {  	_ =	shalt  }
0x42: {  	_ =	shalt  }
0x43: {  	_ =	shalt  }
0x44: {  	_ =	shalt  }
0x45: {  	_ =	shalt  }
0x46: {  	_ =	shalt  }
0x47: {  	_ =	shalt  }
0x48: {  	_ =	shalt  }
0x49: {  	_ =	shalt  }
0x4a: {  	_ =	shalt  }
0x4b: {  	_ =	shalt  }
0x4c: {  	_ =	shalt  }
0x4d: {  	_ =	shalt  }
0x4e: {  	_ =	shalt  }
0x4f: {  	_ =	shalt  }
0x50: {  	_ =	shalt  }
0x51: {  	_ =	shalt  }
0x52: {  	_ =	shalt  }
0x53: {  	_ =	shalt  }
0x54: {  	_ =	shalt  }
0x55: {  	_ =	shalt  }
0x56: {  	_ =	shalt  }
0x57: {  	_ =	shalt  }
0x58: {  	_ =	shalt  }
0x59: {  	_ =	shalt  }
0x5a: {  	_ =	shalt  }
0x5b: {  	_ =	shalt  }
0x5c: {  	_ =	shalt  }
0x5d: {  	_ =	shalt  }
0x5e: {  	_ =	shalt  }
0x5f: {  	_ =	shalt  }
0x60: {  	_ =	shalt  }
0x61: {  	_ =	shalt  }
0x62: {  	_ =	shalt  }
0x63: {  	_ =	shalt  }
0x64: {  	_ =	shalt  }
0x65: {  	_ =	shalt  }
0x66: {  	_ =	shalt  }
0x67: {  	_ =	shalt  }
0x68: {  	_ =	shalt  }
0x69: {  	_ =	shalt  }
0x6a: {  	_ =	shalt  }
0x6b: {  	_ =	shalt  }
0x6c: {  	_ =	shalt  }
0x6d: {  	_ =	shalt  }
0x6e: {  	_ =	shalt  }
0x6f: {  	_ =	shalt  }
0x70: {  	_ =	shalt  }
0x71: {  	_ =	shalt  }
0x72: {  	_ =	shalt  }
0x73: {  	_ =	shalt  }
0x74: {  	_ =	shalt  }
0x75: {  	_ =	shalt  }
0x76: {  	_ =	shalt  }
0x77: {  	_ =	shalt  }
0x78: {  	_ =	shalt  }
0x79: {  	_ =	shalt  }
0x7a: {  	_ =	shalt  }
0x7b: {  	_ =	shalt  }
0x7c: {  	_ =	shalt  }
0x7d: {  	_ =	shalt  }
0x7e: {  	_ =	shalt  }
0x7f: {  	_ =	shalt  }
0x80: {  	_ =	shalt  }
0x81: {  	_ =	shalt  }
0x82: {  	_ =	shalt  }
0x83: {  	_ =	shalt  }
0x84: {  	_ =	shalt  }
0x85: {  	_ =	shalt  }
0x86: {  	_ =	shalt  }
0x87: {  	_ =	shalt  }
.Lfunc_end0:
.L_simem_size_0:
called_computation.3_lowered:
.L_overlay_start_0:
0x88: {  	s2 =	sld [smem:$0x3FD9]  }
0x89: {  	s3 =	sld [smem:$0x3FFE];
	_ =	sdelay $0x1  }
0x8a: {  	s1 =	srdreg.scid  }
0x8b: {  	s0 =	sand.u32 $0x1, s1  }
0x8c: {  	s16 =	sshll.u32 s0, $0xA;
	s2 =	sadd.s32 s3, s2  }
0x8d: {  	s2 =	sadd.s32 s2, s16  }
0x8e: {  	[smem:$0x3FA9] =	sst s2  }
0x8f: {  	_ = 	snop  }
0x90: {  	(tm) =	ssettm $0x1  }
0x91: {  	s17 =	sld [smem:$0x3FFB];
	_ =	sdelay $0x3  }
0x92: {  	_ =	strace s17  }
0x93: {  	s2 =	sld [smem:$0x3FFC];
	_ =	sdelay $0x3  }
0x94: {  	_ =	strace s2  }
0x95: {  	s2 =	sld [smem:$0x3FFD];
	_ =	sdelay $0x3  }
0x96: {  	_ =	strace s2  }
0x97: {  	_ =	strace $0x8FFFFFFF  }
0x98: {  	s18 =	sld [smem:$0x3FDB];
	_ =	sdelay $0x1  }
0x99: {  	s19 =	simm.s32 $_scs_section_size  }
0x9a: {  	s4 =	simm.s32 $_size__tile_overlayer_lowered;
	s5 =	simm.s32 $_tile_overlayer_lowered  }
0x9b: {  	s22 =	simm.s32 $0x1BFF;
	s21 =	sshll.u32 s5, $0x1;
	s2 =	sadd.s32 s19, s18  }
0x9c: {  	s6 =	simm.s32 $0x0;
	s20 =	sshll.u32 s4, $0x1;
	s4 =	sadd.s32 s21, s2  }
0x9d: {  	[timem:s6], [sflag:s22] =	dma.local [hbm:s4], s20  }
0x9e: {  	_ =	swait.ge [sflag:s22], s20  }
0x9f: {  	s3 =	ssub.s32 $0x0, s20;
	[sflag:s22] =	ssyncset.done $0x0  }
0xa0: {  	[sflag:s22] =	ssyncadd.s32 s3;
	_ =	sdelay $0x1  }
0xa1: {  	s23 =	simm.s32 $0x1B8B  }
0xa2: {  	_ =	swait.ge [sflag:s23], $0x1  }
0xa3: {  	[sflag:s23] =	ssyncset.done $0x0  }
0xa4: {  	s25 =	simm.s32 $0x1B8E;
	s24 =	sld [smem:$0x3FFE];
	[sflag:s23] =	ssyncadd.s32 $0xFFFFFFFF  }
0xa5: {  	s26 =	simm.s32 $execute0_lowered;
	[smem:$0x3FD2] =	sst s25  }
0xa6: {  	s4 =	sshll.u32 s26, $0x1;
	_ =	strace $0x8000004F;
	[dreg:$0x1] =	wrdreg $0xFFFFFFFF  }
0xa7: {  	s28 =	simm.s32 $_size_execute0_lowered;
	s2 =	sadd.s32 s2, s4;
	[dreg:$0x0] =	wrdreg $0x0  }
0xa8: {  	s4 =	sshll.u32 s28, $0x1;
	[dreg:$0x2] =	wrdreg s2  }
0xa9: {  	[dreg:$0x3] =	wrdreg s4  }
0xaa: {  	[dreg:$0x4] =	wrdreg $0xC0  }
0xab: {  	_ =	task [dreg:s6], $0x5FFFF  }
0xac: {  	[dreg:$0x1] =	wrdreg $0xFFFFFFFF  }
0xad: {  	[dreg:$0x0] =	wrdreg $0x60  }
0xae: {  	[dreg:$0x2] =	wrdreg s24  }
0xaf: {  	[dreg:$0x3] =	wrdreg $0x98000  }
0xb0: {  	[dreg:$0x4] =	wrdreg $0x9  }
0xb1: {  	_ =	task.clear_ibuf [dreg:s6], $0x5FFFF;
	_ =	strace $0x9000004F  }
0xb2: {  	s29 =	simm.s32 $0x9;
	_ =	strace $0x80000051  }
0xb3: {  	_ =	swait.ge [sflag:s29], $0x1  }
0xb4: {  	[sflag:s29] =	ssyncadd.s32 $0xFFFFFFFF  }
0xb5: {  	_ =	strace $0x90000051  }
0xb6: {  	_ =	sfence  }
0xb7: {  	s30 =	sld [smem:$0x0];
	_ =	sdelay $0x2  }
0xb8: {  	s31 =	sshll.u32 s1, $0xD;
	s1 =	sshrl.u32 s1, $0x2  }
0xb9: {  	s3 =	sand.u32 $0x4000, s31;
	s1 =	sadd.s32 s1, s30  }
0xba: {  	s0 =	sor.u32 s3, s0;
	s1 =	sshll.u32 s1, $0x11  }
0xbb: {  	s0 =	sor.u32 s1, s0  }
0xbc: {  	s0 =	sadd.s32 $0x8F2B, s0  }
0xbd: {  	[sflag:s0] =	ssyncadd.remote.s32 $0x1  }
0xbe: {  	_ =	sfence.sel $0xFFFF  }
0xbf: {  	[dreg:$0x0] =	wrdreg $0xFFFFFFFF;
	(pc) =	sbr.abs _section_cstart, $3  }
0xc0: {  	[dreg:$0x1] =	wrdreg $0xFFFFFFFF  }
0xc1: {  	_ =	task.clear_ibuf [dreg:s6], $0x2FFFF;
	_ =	strace $0x9FFFFFFF  }
0xc2: {  	(tm) =	ssettm $0x7FFFFFFF  }
0xc3: {  	_ =	shalt  }
tec
execute0_lowered:
.L_overlay_start_1:
0x0: {  	(tag) =	ssettag $0x1  }
0x1: {  	s6 =	rddreg [dreg:$0x0]  }
0x2: {  	s0 =	srdreg.scid;
	s2 =	rddreg [dreg:$0x1]  }
0x3: {  	s1 =	rddreg [dreg:$0x2];
	s7 =	sand.u32 $0x1, s0  }
0x4: {  	s3 =	simm.s32 $0x0;
	s0 =	stileid.u32;
	s4 =	smul.u32 $0x2C000, s7  }
0x5: {  	s14 =	simm.s32 $0x2C00;
	s15 =	simm.s32 $0x80;
	s5 =	smul.u32 $0x2C00, s0  }
0x6: {  	s16 =	simm.s32 $0x5800;
	s17 =	simm.s32 $0x1;
	s8 =	smul.u32 $0x140000, s7  }
0x7: {  	s20 =	simm.s32 $0x0;
	[smem:$0x7FF] =	sst s3;
	s9 =	smul.u32 $0xA000, s0  }
0x8: {  	_ =	strace $0x80000050;
	s10 =	smul.u32 $0x50000, s0;
	s28 =	ssub.s32 $0x2, s7  }
0x9: {  	s30 =	smul.u32 $0x28000, s0;
	s31 =	sshll.u32 s0, $0x6;
	s7 =	sshrl.u32 s28, $0x1  }
0xa: {  	s5 =	sadd.s32 s5, s4;
	s4 =	sadd.s32 $0x80000, s6;
	s8 =	sadd.s32 s9, s8  }
0xb: {  	s29 =	sshrl.u32 s10, $0x2;
	s12 =	ssub.s32 s28, s7;
	s10 =	sshrl.u32 s30, $0x2  }
0xc: {  	s5 =	sshrl.u32 s5, $0x3;
	s8 =	sshrl.u32 s8, $0x3;
	s13 =	sadd.s32 s29, s2  }
0xd: {  	s18 =	sadd.s32 s10, s2;
	s26 =	sadd.s32 s5, s6;
	s5 =	sadd.s32 $0x22800, s6  }
0xe: {  	s11 =	sadd.s32 s8, s6;
	s6 =	sor.u32 $0x1C02, s31;
	s19 =	sadd.s32 $0xA0000, s18  }
0xf: {  	s18 =	sshrl.u32 s18, $0x3;
	s7 =	sadd.s32 $0x75000, s26;
	s8 =	sadd.s32 $0x4800, s26  }
0x10: {  	s9 =	sadd.s32 $0xAB000, s11;
	s10 =	sadd.s32 $0xBF000, s11;
	s11 =	smax.u32 s12, $0x1  }
0x11: {  	s12 =	sshrl.u32 s13, $0x3;
	s13 =	simm.s32 $0x2;
	s19 =	sshrl.u32 s19, $0x3  }
.LBB2_1:
0x12: {  	[spmem:s12], [sflag:s6] =	dma.local [hbm:s5], $0x2800  }
0x13: {  	_ =	swait.ge [sflag:s13], $0x2800  }
0x14: {  	[sflag:s13] =	ssyncset.done $0x0  }
0x15: {  	[sflag:s13] =	ssyncadd.s32 $0xFFFFD800  }
0x16: {  	[tilespmem:s3], [sflag:$0x2] =	stream.linear.gather [hbm4b:s7+s3], $0x2A00, $0x38;
	[tilespmem:$0x1D800] =	vst v63  }
0x17: {  	_ =	swait.ge [sflag:s13], $0x2A00  }
0x18: {  	[sflag:s13] =	ssyncset.done $0x0  }
0x19: {  	[sflag:s13] =	ssyncadd.s32 $0xFFFFD600  }
0x1a: {  	[tilespmem:s14], [sflag:$0x2] =	stream.linear.gather [hbm4b:s8+s3], $0x2A00, $0x38;
	[tilespmem:$0x1D800] =	vst v63  }
0x1b: {  	_ =	swait.ge [sflag:s13], $0x2A00  }
0x1c: {  	[sflag:s13] =	ssyncset.done $0x0  }
0x1d: {  	[sflag:s13] =	ssyncadd.s32 $0xFFFFD600  }
0x1e: {  	s21 =	simm.s32 $0x0;
	[bflag:$0x0] =	sbarrier.arrive $0xFFFF  }
0x1f: {  	[tilespmem:s16], [sflag:$0x1] =	stream.indirect.gather [hbm4b:s4+s15], $0x80, s21, s15, $0xb8;
	[tilespmem:$0x1D800] =	vst v63  }
0x20: {  	_ =	swait.ge [sflag:s17], $0x4000  }
0x21: {  	[sflag:s17] =	ssyncset.done $0x0  }
0x22: {  	s31 =	simm.s32 $0x2C00;
	[sflag:s17] =	ssyncadd.s32 $0xFFFFC000  }
0x23: {  	[spmem:s2] =	stream.indirect.scatter.add.f32 [tilespmem:s16], [sflag:$0x2], $0x80, s31, s15, $0xb8;
	[tilespmem:$0x1D800] =	vst v63  }
0x24: {  	_ =	swait.ge [sflag:s13], $0x4000  }
0x25: {  	s22 =	simm.s32 $0x400;
	s21 =	simm.s32 $0x200;
	[sflag:s13] =	ssyncset.done $0x0  }
.LBB2_2:
0x26: {  	s23 =	sshra.s32 s21, $0x2  }
0x27: {  	[sflag:s13] =	ssyncadd.s32 $0xFFFFC000;
	s21 =	smov.u32 s22;
	s24 =	sadd.s32 $0x200, s22  }
0x28: {  	[tilespmem:s16], [sflag:$0x1] =	stream.indirect.gather [hbm4b:s4+s15], $0x80, s23, s15, $0xb8;
	[tilespmem:$0x1D800] =	vst v63  }
0x29: {  	p0 =	sne.s32 s22, $0x9E00;
	_ =	swait.ge [sflag:s17], $0x4000  }
.Ltmp0:
0x2a: {  	[sflag:s17] =	ssyncset.done $0x0;
	(pc) =	sbr.rel @p0 .LBB2_2-.Ltmp0, $4  }
0x2b: {  	s22 =	sadd.s32 $0x2C00, s23;
	[sflag:s17] =	ssyncadd.s32 $0xFFFFC000  }
0x2c: {  	[spmem:s2] =	stream.indirect.scatter.add.f32 [tilespmem:s16], [sflag:$0x2], $0x80, s22, s15, $0xb8;
	[tilespmem:$0x1D800] =	vst v63  }
0x2d: {  	_ =	swait.ge [sflag:s13], $0x4000  }
0x2e: {  	s22 =	smov.u32 s24;
	[sflag:s13] =	ssyncset.done $0x0  }
0x2f: {  	s21 =	sshra.s32 s21, $0x2;
	[sflag:s13] =	ssyncadd.s32 $0xFFFFC000  }
0x30: {  	[tilespmem:s16], [sflag:$0x1] =	stream.indirect.gather [hbm4b:s4+s15], $0x80, s21, s15, $0xb8;
	[tilespmem:$0x1D800] =	vst v63  }
0x31: {  	_ =	swait.ge [sflag:s17], $0x4000  }
0x32: {  	[sflag:s17] =	ssyncset.done $0x0  }
0x33: {  	s21 =	sadd.s32 $0x2C00, s21;
	[sflag:s17] =	ssyncadd.s32 $0xFFFFC000  }
0x34: {  	[spmem:s2] =	stream.indirect.scatter.add.f32 [tilespmem:s16], [sflag:$0x2], $0x80, s21, s15, $0xb8;
	[tilespmem:$0x1D800] =	vst v63  }
0x35: {  	_ =	swait.ge [sflag:s13], $0x4000  }
0x36: {  	[sflag:s13] =	ssyncset.done $0x0  }
0x37: {  	[sflag:s13] =	ssyncadd.s32 $0xFFFFC000  }
0x38: {  	[bflag:$0x0] =	sbarrier.arrive $0xFFFF  }
0x39: {  	[hbm:s9], [sflag:s6] =	dma.local [spmem:s18], $0x1400  }
0x3a: {  	s20 =	sadd.s32 $0x1, s20;
	_ =	swait.ge [sflag:s13], $0x1400  }
0x3b: {  	p0 =	sne.s32 s20, s11;
	[sflag:s13] =	ssyncset.done $0x0  }
.Ltmp1:
0x3c: {  	[sflag:s13] =	ssyncadd.s32 $0xFFFFEC00;
	(pc) =	sbr.rel @p0 .LBB2_1-.Ltmp1, $4  }
0x3d: {  	[hbm:s10], [sflag:s6] =	dma.local [spmem:s19], $0x1400  }
0x3e: {  	_ =	swait.ge [sflag:s13], $0x1400  }
0x3f: {  	[sflag:s13] =	ssyncset.done $0x0  }
0x40: {  	[sflag:s13] =	ssyncadd.s32 $0xFFFFEC00  }
0x41: {  	_ =	sfence.sel $0x180000  }
0x42: {  	[bflag:$0x0] =	sbarrier.arrive $0xFFFF  }
0x43: {  	p0 =	sne.s32 s0, $0x0;
	_ =	strace $0x90000050  }
0x44: {  	s0 =	sadd.s32 @!p0 $0x100000, s1;
	[bflag:$0x2] =	sbarrier.arrive $0xFFFF  }
0x45: {  	[sflag:s0] =	ssyncadd.tile.s32 @!p0 $0x1;
	_ =	shalt  }
.Lfunc_end2:
_tile_overlayer_lowered:
.L_overlay_start_2:
0x46: {  	(tag) =	ssettag $0x2  }
0x47: {  	s0 =	rddreg [dreg:$0x0];
	s2 =	stileid.u32  }
0x48: {  	s1 =	rddreg [dreg:$0x1];
	p0 =	sne.s32 s2, $0x0  }
0x49: {  	s3 =	rddreg [dreg:$0x2];
	[bflag:$0x3] =	sbarrier.arrive $0xFFFF;
	s2 =	simm.s32 @!p0 $0x1C02  }
0x4a: {  	[timem:s3], [sflag:s2] =	dma.local @!p0 [hbm:s0], s1  }
0x4b: {  	s0 =	simm.s32 @!p0 $0x2  }
0x4c: {  	_ =	swait.ge @!p0 [sflag:s0], s1  }
0x4d: {  	s1 =	ssub.s32 @!p0 $0x0, s1;
	[sflag:s0] =	ssyncset.done @!p0 $0x0  }
0x4e: {  	[sflag:s0] =	ssyncadd.s32 @!p0 s1  }
0x4f: {  	[bflag:$0x3] =	sbarrier.arrive $0xFFFF  }
0x50: {  	_ =	shalt  }

</sc_bundles>
